<compile_context>
chip_gen: v7x
topology: tpu7x:2x2x1
jax: 0.10.2.dev20260603
libtpu: 0.0.44.dev20260713+nightly
codegen_flags: <defaults>
</compile_context>

<pallas_src>
import functools

import jax
import jax.numpy as jnp
from jax import lax
from jax.experimental import pallas as pl
from jax.experimental.pallas import tpu as pltpu
from jax.experimental.pallas import tpu_sc as plsc

N_NODES = 10000
N_EDGES = 320000
D = 128

NC = 2
NS = 16
C = 24
CPT = 840
E_PAD = NS * C * CPT
N_X = 10112
HALF = 5056
N_ACC = 5120
X_ROWS_TILE = N_X // NS
ACC_ROWS_TILE = N_ACC // NS
SRC_DUMMY = 10104
DST_DUMMY = HALF


def _sc_aggregate(x_pad, src3d, dstb, zeros_hbm):
    mesh = plsc.VectorSubcoreMesh(core_axis_name="c", subcore_axis_name="s")

    @functools.partial(
        pl.kernel,
        out_type=jax.ShapeDtypeStruct((NC, N_ACC, D), jnp.float32),
        mesh=mesh,
        scratch_types=[
            pltpu.VMEM_SHARED((N_X, D), jnp.float32),
            pltpu.VMEM_SHARED((N_ACC, D), jnp.float32),
            [pltpu.VMEM((1, C), jnp.int32) for _ in range(4)],
            [pltpu.VMEM((1, C), jnp.int32) for _ in range(4)],
            [pltpu.VMEM((C, D), jnp.float32) for _ in range(2)],
            [pltpu.SemaphoreType.DMA for _ in range(4)],
            [pltpu.SemaphoreType.DMA for _ in range(4)],
            [pltpu.SemaphoreType.DMA for _ in range(2)],
        ],
    )
    def agg(x_hbm, src_hbm, dst_hbm, zero_hbm, out_hbm,
            xs, acc, sv, dv, rows, sem_s, sem_d, sem_r):
        c = lax.axis_index("c")
        s = lax.axis_index("s")
        xb = s * X_ROWS_TILE
        pltpu.sync_copy(x_hbm.at[pl.ds(xb, X_ROWS_TILE)],
                        xs.at[pl.ds(xb, X_ROWS_TILE)])
        ab = s * ACC_ROWS_TILE
        pltpu.sync_copy(zero_hbm.at[pl.ds(ab, ACC_ROWS_TILE)],
                        acc.at[pl.ds(ab, ACC_ROWS_TILE)])
        plsc.subcore_barrier()

        base = s * CPT

        def load_idx(j, k):
            pltpu.async_copy(src_hbm.at[base + j], sv[k], sem_s[k])
            pltpu.async_copy(dst_hbm.at[c, base + j], dv[k], sem_d[k])

        def wait_src(j, k):
            pltpu.make_async_copy(src_hbm.at[base + j],
                                  sv[k], sem_s[k]).wait()

        def wait_dst(j, k):
            pltpu.make_async_copy(dst_hbm.at[c, base + j],
                                  dv[k], sem_d[k]).wait()

        def gather(k, r):
            pltpu.async_copy(xs.at[sv[k].at[0]], rows[r], sem_r[r])

        def wait_gather(k, r):
            pltpu.make_async_copy(xs.at[sv[k].at[0]],
                                  rows[r], sem_r[r]).wait()

        for k in range(4):
            load_idx(k, k)
        wait_src(0, 0)
        gather(0, 0)

        def quad(i, carry):
            j0 = 4 * i
            for k in range(4):
                j = j0 + k
                kn = (k + 1) % 4
                r = k % 2
                rn = (k + 1) % 2

                @pl.when(j + 1 < CPT)
                def _():
                    wait_src(j + 1, kn)
                    gather(kn, rn)

                wait_gather(k, r)
                wait_dst(j, k)
                pltpu.sync_copy(rows[r], acc.at[dv[k].at[0]], add=True)

                @pl.when(j + 4 < CPT)
                def _():
                    load_idx(j + 4, k)

            return carry

        lax.fori_loop(0, CPT // 4, quad, 0)
        plsc.subcore_barrier()
        pltpu.sync_copy(acc.at[pl.ds(ab, ACC_ROWS_TILE)],
                        out_hbm.at[c, pl.ds(ab, ACC_ROWS_TILE)])

    return agg(x_pad, src3d, dstb, zeros_hbm)


def _tc_matmul(partials, weight, bias2d):
    blk = 1264

    def body(p_ref, w_ref, b_ref, o_ref):
        y = jnp.dot(p_ref[0], w_ref[...], preferred_element_type=jnp.float32)
        o_ref[...] = jnp.maximum(y + b_ref[...], 0.0)

    return pl.pallas_call(
        body,
        grid=(N_X // blk,),
        in_specs=[
            pl.BlockSpec((1, blk, D), lambda i: (i // 4, i % 4, 0)),
            pl.BlockSpec((D, D), lambda i: (0, 0)),
            pl.BlockSpec((1, D), lambda i: (0, 0)),
        ],
        out_specs=pl.BlockSpec((blk, D), lambda i: (i, 0)),
        out_shape=jax.ShapeDtypeStruct((N_X, D), jnp.float32),
    )(partials, weight, bias2d)


def kernel(x, edge_index, weight, bias):
    dst = edge_index[0].astype(jnp.int32)
    src = edge_index[1].astype(jnp.int32)
    pad = E_PAD - N_EDGES
    src_p = jnp.concatenate([src, jnp.full((pad,), SRC_DUMMY, jnp.int32)])
    dst_p = jnp.concatenate([dst, jnp.full((pad,), N_NODES, jnp.int32)])
    src3d = src_p.reshape(NS * CPT, 1, C)
    dst0 = jnp.where(dst_p < HALF, dst_p, DST_DUMMY)
    dst1 = jnp.where(dst_p >= HALF, dst_p - HALF, DST_DUMMY)
    dstb = jnp.stack([dst0, dst1]).reshape(NC, NS * CPT, 1, C)
    x_pad = jnp.concatenate([x, jnp.zeros((N_X - N_NODES, D), jnp.float32)])
    zeros_hbm = jnp.zeros((N_ACC, D), jnp.float32)
    partials = _sc_aggregate(x_pad, src3d, dstb, zeros_hbm)
    out = _tc_matmul(partials, weight, bias.reshape(1, D))
    return out[:N_NODES]

# --- scband reference (transcript-rebuilt; emitter-appended) ---
"""Pipeline reference for scband-graph-convolution-27513560498274 (READ-ONLY COPY).

The authoritative reference and input builder live on the scoring server;
editing this copy changes nothing except your own understanding.
"""

import jax, jax.numpy as jnp
import numpy as np

N_NODES = 10000
N_EDGES = 320000
D_IN = 128
D_OUT = 128


def setup_inputs(seed: int = 0) -> dict:
    key = jax.random.key(seed)
    k_x, k_e, k_w = jax.random.split(key, 3)
    x = jax.random.normal(k_x, (N_NODES, D_IN), dtype=jnp.float32)
    edge_index = jax.random.randint(k_e, (2, N_EDGES), 0, N_NODES, dtype=jnp.int64)
    # learned parameters per __init__: weight ~ randn(input_dim, output_dim), bias ~ zeros(output_dim)
    weight = jax.random.normal(k_w, (D_IN, D_OUT), dtype=jnp.float32)
    bias = jnp.zeros((D_OUT,), dtype=jnp.float32)
    return {"x": x, "edge_index": edge_index, "weight": weight, "bias": bias}


def reference(x, edge_index, weight, bias):
    # support = x @ W  (dense matmul)
    support = jnp.dot(x, weight)
    # spmm(adj, support): adj in COO form via edge_index; row = dst, col = src
    dst = edge_index[0]
    src = edge_index[1]
    msgs = jnp.take(support, src, axis=0)              # gather (SparseCore)
    agg = jax.ops.segment_sum(msgs, dst, num_segments=x.shape[0])  # scatter-add
    out = agg + bias
    return jax.nn.relu(out)

if __name__ == "__main__":
    import jax
    _d = setup_inputs()
    print(jax.jit(kernel)(*tuple(_d.values())))

</pallas_src>

<mosaic_0001>
#map = affine_map<(d0, d1) -> (0, 0)>
#map1 = affine_map<(d0, d1) -> (0, 0, 0)>
#map2 = affine_map<(d0, d1) -> (0, 0, 0, 0)>
module attributes {stable_mosaic.version = 14 : i64} {
  func.func @agg(%arg0: i32, %arg1: i32, %arg2: memref<10112x128xf32, #tpu.memory_space<hbm>>, %arg3: memref<13440x1x24xi32, #tpu.memory_space<hbm>>, %arg4: memref<2x13440x1x24xi32, #tpu.memory_space<hbm>>, %arg5: memref<5120x128xf32, #tpu.memory_space<hbm>>, %arg6: memref<2x5120x128xf32, #tpu.memory_space<hbm>>, %arg7: memref<10112x128xf32, #tpu.memory_space<vmem_shared>>, %arg8: memref<5120x128xf32, #tpu.memory_space<vmem_shared>>, %arg9: memref<1x24xi32, #tpu.memory_space<vmem>>, %arg10: memref<1x24xi32, #tpu.memory_space<vmem>>, %arg11: memref<1x24xi32, #tpu.memory_space<vmem>>, %arg12: memref<1x24xi32, #tpu.memory_space<vmem>>, %arg13: memref<1x24xi32, #tpu.memory_space<vmem>>, %arg14: memref<1x24xi32, #tpu.memory_space<vmem>>, %arg15: memref<1x24xi32, #tpu.memory_space<vmem>>, %arg16: memref<1x24xi32, #tpu.memory_space<vmem>>, %arg17: memref<24x128xf32, #tpu.memory_space<vmem>>, %arg18: memref<24x128xf32, #tpu.memory_space<vmem>>, %arg19: memref<!tpu.dma_semaphore, #tpu.memory_space<semaphore_mem>>, %arg20: memref<!tpu.dma_semaphore, #tpu.memory_space<semaphore_mem>>, %arg21: memref<!tpu.dma_semaphore, #tpu.memory_space<semaphore_mem>>, %arg22: memref<!tpu.dma_semaphore, #tpu.memory_space<semaphore_mem>>, %arg23: memref<!tpu.dma_semaphore, #tpu.memory_space<semaphore_mem>>, %arg24: memref<!tpu.dma_semaphore, #tpu.memory_space<semaphore_mem>>, %arg25: memref<!tpu.dma_semaphore, #tpu.memory_space<semaphore_mem>>, %arg26: memref<!tpu.dma_semaphore, #tpu.memory_space<semaphore_mem>>, %arg27: memref<!tpu.dma_semaphore, #tpu.memory_space<semaphore_mem>>, %arg28: memref<!tpu.dma_semaphore, #tpu.memory_space<semaphore_mem>>) attributes {dimension_semantics = [#tpu.dimension_semantics<core_parallel>, #tpu.dimension_semantics<subcore_parallel>], iteration_bounds = array<i64: 2, 16>, scalar_prefetch = 0 : i64, scratch_operands = 22 : i64, tpu.core_type = #tpu.core_type<sc_vector_subcore>, window_params = [{transform_indices = #map}, {transform_indices = #map1}, {transform_indices = #map2}, {transform_indices = #map}, {transform_indices = #map1}]} {
    %mul3A = arith.constant 632 : i32
    %mul3A_0 = arith.muli %arg1, %mul3A : i32
    "tpu.region"() ({
      %run_scoped3A = tpu.sem_alloc : memref<!tpu.dma_semaphore, #tpu.memory_space<semaphore_mem>>
      %dma_start3A_105 = arith.constant 0 : i32
      %dma_start3A_106 = tpu.memref_slice %arg7[%mul3A_0, %dma_start3A_105] : memref<10112x128xf32, #tpu.memory_space<vmem_shared>> -> memref<632x128xf32, #tpu.memory_space<vmem_shared>>
      %dma_start3A_107 = arith.constant 0 : i32
      %dma_start3A_108 = tpu.memref_slice %arg2[%mul3A_0, %dma_start3A_107] : memref<10112x128xf32, #tpu.memory_space<hbm>> -> memref<632x128xf32, #tpu.memory_space<hbm>>
      tpu.enqueue_dma source(%dma_start3A_108 : memref<632x128xf32, #tpu.memory_space<hbm>>) target(%dma_start3A_106 : memref<632x128xf32, #tpu.memory_space<vmem_shared>>) target_semaphore(%run_scoped3A : memref<!tpu.dma_semaphore, #tpu.memory_space<semaphore_mem>>)
      %dma_wait3A_109 = arith.constant 0 : i32
      %dma_wait3A_110 = tpu.memref_slice %arg7[%mul3A_0, %dma_wait3A_109] : memref<10112x128xf32, #tpu.memory_space<vmem_shared>> -> memref<632x128xf32, #tpu.memory_space<vmem_shared>>
      %dma_wait3A_111 = arith.constant 0 : i32
      %dma_wait3A_112 = tpu.memref_slice %arg2[%mul3A_0, %dma_wait3A_111] : memref<10112x128xf32, #tpu.memory_space<hbm>> -> memref<632x128xf32, #tpu.memory_space<hbm>>
      tpu.wait_dma2 semaphore(%run_scoped3A : memref<!tpu.dma_semaphore, #tpu.memory_space<semaphore_mem>>) src(%dma_wait3A_112 : memref<632x128xf32, #tpu.memory_space<hbm>>) dst(%dma_wait3A_110 : memref<632x128xf32, #tpu.memory_space<vmem_shared>>)
      tpu.yield
    }) : () -> ()
    %mul3A_1 = arith.constant 320 : i32
    %mul3A_2 = arith.muli %arg1, %mul3A_1 : i32
    "tpu.region"() ({
      %run_scoped3A = tpu.sem_alloc : memref<!tpu.dma_semaphore, #tpu.memory_space<semaphore_mem>>
      %dma_start3A_105 = arith.constant 0 : i32
      %dma_start3A_106 = tpu.memref_slice %arg8[%mul3A_2, %dma_start3A_105] : memref<5120x128xf32, #tpu.memory_space<vmem_shared>> -> memref<320x128xf32, #tpu.memory_space<vmem_shared>>
      %dma_start3A_107 = arith.constant 0 : i32
      %dma_start3A_108 = tpu.memref_slice %arg5[%mul3A_2, %dma_start3A_107] : memref<5120x128xf32, #tpu.memory_space<hbm>> -> memref<320x128xf32, #tpu.memory_space<hbm>>
      tpu.enqueue_dma source(%dma_start3A_108 : memref<320x128xf32, #tpu.memory_space<hbm>>) target(%dma_start3A_106 : memref<320x128xf32, #tpu.memory_space<vmem_shared>>) target_semaphore(%run_scoped3A : memref<!tpu.dma_semaphore, #tpu.memory_space<semaphore_mem>>)
      %dma_wait3A_109 = arith.constant 0 : i32
      %dma_wait3A_110 = tpu.memref_slice %arg8[%mul3A_2, %dma_wait3A_109] : memref<5120x128xf32, #tpu.memory_space<vmem_shared>> -> memref<320x128xf32, #tpu.memory_space<vmem_shared>>
      %dma_wait3A_111 = arith.constant 0 : i32
      %dma_wait3A_112 = tpu.memref_slice %arg5[%mul3A_2, %dma_wait3A_111] : memref<5120x128xf32, #tpu.memory_space<hbm>> -> memref<320x128xf32, #tpu.memory_space<hbm>>
      tpu.wait_dma2 semaphore(%run_scoped3A : memref<!tpu.dma_semaphore, #tpu.memory_space<semaphore_mem>>) src(%dma_wait3A_112 : memref<320x128xf32, #tpu.memory_space<hbm>>) dst(%dma_wait3A_110 : memref<320x128xf32, #tpu.memory_space<vmem_shared>>)
      tpu.yield
    }) : () -> ()
    %barrier3A = arith.constant 0 : index
    tpu.barrier barrier_id(%barrier3A)
    %mul3A_3 = arith.constant 840 : i32
    %mul3A_4 = arith.muli %arg1, %mul3A_3 : i32
    %add3A = arith.constant 0 : i32
    %add3A_5 = arith.addi %mul3A_4, %add3A : i32
    %dma_start3A = arith.constant 0 : i32
    %dma_start3A_6 = arith.constant 0 : i32
    %dma_start3A_7 = tpu.memref_slice %arg3[%add3A_5, %dma_start3A, %dma_start3A_6] : memref<13440x1x24xi32, #tpu.memory_space<hbm>> -> memref<1x1x24xi32, #tpu.memory_space<hbm>>
    %dma_start3A_8 = tpu.memref_squeeze %dma_start3A_7 : memref<1x1x24xi32, #tpu.memory_space<hbm>> -> memref<1x24xi32, #tpu.memory_space<hbm>>
    %dma_start3A_9 = arith.constant 0 : i32
    %dma_start3A_10 = arith.constant 0 : i32
    %dma_start3A_11 = tpu.memref_slice %arg3[%add3A_5, %dma_start3A_9, %dma_start3A_10] : memref<13440x1x24xi32, #tpu.memory_space<hbm>> -> memref<1x1x24xi32, #tpu.memory_space<hbm>>
    %dma_start3A_12 = tpu.memref_squeeze %dma_start3A_11 : memref<1x1x24xi32, #tpu.memory_space<hbm>> -> memref<1x24xi32, #tpu.memory_space<hbm>>
    tpu.enqueue_dma source(%dma_start3A_12 : memref<1x24xi32, #tpu.memory_space<hbm>>) target(%arg9 : memref<1x24xi32, #tpu.memory_space<vmem>>) target_semaphore(%arg19 : memref<!tpu.dma_semaphore, #tpu.memory_space<semaphore_mem>>)
    %add3A_13 = arith.constant 0 : i32
    %add3A_14 = arith.addi %mul3A_4, %add3A_13 : i32
    %dma_start3A_15 = arith.constant 0 : i32
    %dma_start3A_16 = arith.constant 0 : i32
    %dma_start3A_17 = tpu.memref_slice %arg4[%arg0, %add3A_14, %dma_start3A_15, %dma_start3A_16] : memref<2x13440x1x24xi32, #tpu.memory_space<hbm>> -> memref<1x1x1x24xi32, #tpu.memory_space<hbm>>
    %dma_start3A_18 = tpu.memref_squeeze %dma_start3A_17 : memref<1x1x1x24xi32, #tpu.memory_space<hbm>> -> memref<1x24xi32, #tpu.memory_space<hbm>>
    %dma_start3A_19 = arith.constant 0 : i32
    %dma_start3A_20 = arith.constant 0 : i32
    %dma_start3A_21 = tpu.memref_slice %arg4[%arg0, %add3A_14, %dma_start3A_19, %dma_start3A_20] : memref<2x13440x1x24xi32, #tpu.memory_space<hbm>> -> memref<1x1x1x24xi32, #tpu.memory_space<hbm>>
    %dma_start3A_22 = tpu.memref_squeeze %dma_start3A_21 : memref<1x1x1x24xi32, #tpu.memory_space<hbm>> -> memref<1x24xi32, #tpu.memory_space<hbm>>
    tpu.enqueue_dma source(%dma_start3A_22 : memref<1x24xi32, #tpu.memory_space<hbm>>) target(%arg13 : memref<1x24xi32, #tpu.memory_space<vmem>>) target_semaphore(%arg23 : memref<!tpu.dma_semaphore, #tpu.memory_space<semaphore_mem>>)
    %add3A_23 = arith.constant 1 : i32
    %add3A_24 = arith.addi %mul3A_4, %add3A_23 : i32
    %dma_start3A_25 = arith.constant 0 : i32
    %dma_start3A_26 = arith.constant 0 : i32
    %dma_start3A_27 = tpu.memref_slice %arg3[%add3A_24, %dma_start3A_25, %dma_start3A_26] : memref<13440x1x24xi32, #tpu.memory_space<hbm>> -> memref<1x1x24xi32, #tpu.memory_space<hbm>>
    %dma_start3A_28 = tpu.memref_squeeze %dma_start3A_27 : memref<1x1x24xi32, #tpu.memory_space<hbm>> -> memref<1x24xi32, #tpu.memory_space<hbm>>
    %dma_start3A_29 = arith.constant 0 : i32
    %dma_start3A_30 = arith.constant 0 : i32
    %dma_start3A_31 = tpu.memref_slice %arg3[%add3A_24, %dma_start3A_29, %dma_start3A_30] : memref<13440x1x24xi32, #tpu.memory_space<hbm>> -> memref<1x1x24xi32, #tpu.memory_space<hbm>>
    %dma_start3A_32 = tpu.memref_squeeze %dma_start3A_31 : memref<1x1x24xi32, #tpu.memory_space<hbm>> -> memref<1x24xi32, #tpu.memory_space<hbm>>
    tpu.enqueue_dma source(%dma_start3A_32 : memref<1x24xi32, #tpu.memory_space<hbm>>) target(%arg10 : memref<1x24xi32, #tpu.memory_space<vmem>>) target_semaphore(%arg20 : memref<!tpu.dma_semaphore, #tpu.memory_space<semaphore_mem>>)
    %add3A_33 = arith.constant 1 : i32
    %add3A_34 = arith.addi %mul3A_4, %add3A_33 : i32
    %dma_start3A_35 = arith.constant 0 : i32
    %dma_start3A_36 = arith.constant 0 : i32
    %dma_start3A_37 = tpu.memref_slice %arg4[%arg0, %add3A_34, %dma_start3A_35, %dma_start3A_36] : memref<2x13440x1x24xi32, #tpu.memory_space<hbm>> -> memref<1x1x1x24xi32, #tpu.memory_space<hbm>>
    %dma_start3A_38 = tpu.memref_squeeze %dma_start3A_37 : memref<1x1x1x24xi32, #tpu.memory_space<hbm>> -> memref<1x24xi32, #tpu.memory_space<hbm>>
    %dma_start3A_39 = arith.constant 0 : i32
    %dma_start3A_40 = arith.constant 0 : i32
    %dma_start3A_41 = tpu.memref_slice %arg4[%arg0, %add3A_34, %dma_start3A_39, %dma_start3A_40] : memref<2x13440x1x24xi32, #tpu.memory_space<hbm>> -> memref<1x1x1x24xi32, #tpu.memory_space<hbm>>
    %dma_start3A_42 = tpu.memref_squeeze %dma_start3A_41 : memref<1x1x1x24xi32, #tpu.memory_space<hbm>> -> memref<1x24xi32, #tpu.memory_space<hbm>>
    tpu.enqueue_dma source(%dma_start3A_42 : memref<1x24xi32, #tpu.memory_space<hbm>>) target(%arg14 : memref<1x24xi32, #tpu.memory_space<vmem>>) target_semaphore(%arg24 : memref<!tpu.dma_semaphore, #tpu.memory_space<semaphore_mem>>)
    %add3A_43 = arith.constant 2 : i32
    %add3A_44 = arith.addi %mul3A_4, %add3A_43 : i32
    %dma_start3A_45 = arith.constant 0 : i32
    %dma_start3A_46 = arith.constant 0 : i32
    %dma_start3A_47 = tpu.memref_slice %arg3[%add3A_44, %dma_start3A_45, %dma_start3A_46] : memref<13440x1x24xi32, #tpu.memory_space<hbm>> -> memref<1x1x24xi32, #tpu.memory_space<hbm>>
    %dma_start3A_48 = tpu.memref_squeeze %dma_start3A_47 : memref<1x1x24xi32, #tpu.memory_space<hbm>> -> memref<1x24xi32, #tpu.memory_space<hbm>>
    %dma_start3A_49 = arith.constant 0 : i32
    %dma_start3A_50 = arith.constant 0 : i32
    %dma_start3A_51 = tpu.memref_slice %arg3[%add3A_44, %dma_start3A_49, %dma_start3A_50] : memref<13440x1x24xi32, #tpu.memory_space<hbm>> -> memref<1x1x24xi32, #tpu.memory_space<hbm>>
    %dma_start3A_52 = tpu.memref_squeeze %dma_start3A_51 : memref<1x1x24xi32, #tpu.memory_space<hbm>> -> memref<1x24xi32, #tpu.memory_space<hbm>>
    tpu.enqueue_dma source(%dma_start3A_52 : memref<1x24xi32, #tpu.memory_space<hbm>>) target(%arg11 : memref<1x24xi32, #tpu.memory_space<vmem>>) target_semaphore(%arg21 : memref<!tpu.dma_semaphore, #tpu.memory_space<semaphore_mem>>)
    %add3A_53 = arith.constant 2 : i32
    %add3A_54 = arith.addi %mul3A_4, %add3A_53 : i32
    %dma_start3A_55 = arith.constant 0 : i32
    %dma_start3A_56 = arith.constant 0 : i32
    %dma_start3A_57 = tpu.memref_slice %arg4[%arg0, %add3A_54, %dma_start3A_55, %dma_start3A_56] : memref<2x13440x1x24xi32, #tpu.memory_space<hbm>> -> memref<1x1x1x24xi32, #tpu.memory_space<hbm>>
    %dma_start3A_58 = tpu.memref_squeeze %dma_start3A_57 : memref<1x1x1x24xi32, #tpu.memory_space<hbm>> -> memref<1x24xi32, #tpu.memory_space<hbm>>
    %dma_start3A_59 = arith.constant 0 : i32
    %dma_start3A_60 = arith.constant 0 : i32
    %dma_start3A_61 = tpu.memref_slice %arg4[%arg0, %add3A_54, %dma_start3A_59, %dma_start3A_60] : memref<2x13440x1x24xi32, #tpu.memory_space<hbm>> -> memref<1x1x1x24xi32, #tpu.memory_space<hbm>>
    %dma_start3A_62 = tpu.memref_squeeze %dma_start3A_61 : memref<1x1x1x24xi32, #tpu.memory_space<hbm>> -> memref<1x24xi32, #tpu.memory_space<hbm>>
    tpu.enqueue_dma source(%dma_start3A_62 : memref<1x24xi32, #tpu.memory_space<hbm>>) target(%arg15 : memref<1x24xi32, #tpu.memory_space<vmem>>) target_semaphore(%arg25 : memref<!tpu.dma_semaphore, #tpu.memory_space<semaphore_mem>>)
    %add3A_63 = arith.constant 3 : i32
    %add3A_64 = arith.addi %mul3A_4, %add3A_63 : i32
    %dma_start3A_65 = arith.constant 0 : i32
    %dma_start3A_66 = arith.constant 0 : i32
    %dma_start3A_67 = tpu.memref_slice %arg3[%add3A_64, %dma_start3A_65, %dma_start3A_66] : memref<13440x1x24xi32, #tpu.memory_space<hbm>> -> memref<1x1x24xi32, #tpu.memory_space<hbm>>
    %dma_start3A_68 = tpu.memref_squeeze %dma_start3A_67 : memref<1x1x24xi32, #tpu.memory_space<hbm>> -> memref<1x24xi32, #tpu.memory_space<hbm>>
    %dma_start3A_69 = arith.constant 0 : i32
    %dma_start3A_70 = arith.constant 0 : i32
    %dma_start3A_71 = tpu.memref_slice %arg3[%add3A_64, %dma_start3A_69, %dma_start3A_70] : memref<13440x1x24xi32, #tpu.memory_space<hbm>> -> memref<1x1x24xi32, #tpu.memory_space<hbm>>
    %dma_start3A_72 = tpu.memref_squeeze %dma_start3A_71 : memref<1x1x24xi32, #tpu.memory_space<hbm>> -> memref<1x24xi32, #tpu.memory_space<hbm>>
    tpu.enqueue_dma source(%dma_start3A_72 : memref<1x24xi32, #tpu.memory_space<hbm>>) target(%arg12 : memref<1x24xi32, #tpu.memory_space<vmem>>) target_semaphore(%arg22 : memref<!tpu.dma_semaphore, #tpu.memory_space<semaphore_mem>>)
    %add3A_73 = arith.constant 3 : i32
    %add3A_74 = arith.addi %mul3A_4, %add3A_73 : i32
    %dma_start3A_75 = arith.constant 0 : i32
    %dma_start3A_76 = arith.constant 0 : i32
    %dma_start3A_77 = tpu.memref_slice %arg4[%arg0, %add3A_74, %dma_start3A_75, %dma_start3A_76] : memref<2x13440x1x24xi32, #tpu.memory_space<hbm>> -> memref<1x1x1x24xi32, #tpu.memory_space<hbm>>
    %dma_start3A_78 = tpu.memref_squeeze %dma_start3A_77 : memref<1x1x1x24xi32, #tpu.memory_space<hbm>> -> memref<1x24xi32, #tpu.memory_space<hbm>>
    %dma_start3A_79 = arith.constant 0 : i32
    %dma_start3A_80 = arith.constant 0 : i32
    %dma_start3A_81 = tpu.memref_slice %arg4[%arg0, %add3A_74, %dma_start3A_79, %dma_start3A_80] : memref<2x13440x1x24xi32, #tpu.memory_space<hbm>> -> memref<1x1x1x24xi32, #tpu.memory_space<hbm>>
    %dma_start3A_82 = tpu.memref_squeeze %dma_start3A_81 : memref<1x1x1x24xi32, #tpu.memory_space<hbm>> -> memref<1x24xi32, #tpu.memory_space<hbm>>
    tpu.enqueue_dma source(%dma_start3A_82 : memref<1x24xi32, #tpu.memory_space<hbm>>) target(%arg16 : memref<1x24xi32, #tpu.memory_space<vmem>>) target_semaphore(%arg26 : memref<!tpu.dma_semaphore, #tpu.memory_space<semaphore_mem>>)
    %add3A_83 = arith.constant 0 : i32
    %add3A_84 = arith.addi %mul3A_4, %add3A_83 : i32
    %dma_wait3A = arith.constant 0 : i32
    %dma_wait3A_85 = arith.constant 0 : i32
    %dma_wait3A_86 = tpu.memref_slice %arg3[%add3A_84, %dma_wait3A, %dma_wait3A_85] : memref<13440x1x24xi32, #tpu.memory_space<hbm>> -> memref<1x1x24xi32, #tpu.memory_space<hbm>>
    %dma_wait3A_87 = tpu.memref_squeeze %dma_wait3A_86 : memref<1x1x24xi32, #tpu.memory_space<hbm>> -> memref<1x24xi32, #tpu.memory_space<hbm>>
    %dma_wait3A_88 = arith.constant 0 : i32
    %dma_wait3A_89 = arith.constant 0 : i32
    %dma_wait3A_90 = tpu.memref_slice %arg3[%add3A_84, %dma_wait3A_88, %dma_wait3A_89] : memref<13440x1x24xi32, #tpu.memory_space<hbm>> -> memref<1x1x24xi32, #tpu.memory_space<hbm>>
    %dma_wait3A_91 = tpu.memref_squeeze %dma_wait3A_90 : memref<1x1x24xi32, #tpu.memory_space<hbm>> -> memref<1x24xi32, #tpu.memory_space<hbm>>
    tpu.wait_dma2 semaphore(%arg19 : memref<!tpu.dma_semaphore, #tpu.memory_space<semaphore_mem>>) src(%dma_wait3A_91 : memref<1x24xi32, #tpu.memory_space<hbm>>) dst(%arg9 : memref<1x24xi32, #tpu.memory_space<vmem>>)
    %dma_start3A_92 = arith.constant 0 : i32
    %dma_start3A_93 = arith.constant 0 : i32
    %dma_start3A_94 = tpu.memref_slice %arg9[%dma_start3A_92, %dma_start3A_93] : memref<1x24xi32, #tpu.memory_space<vmem>> -> memref<1x24xi32, #tpu.memory_space<vmem>>
    %dma_start3A_95 = tpu.memref_squeeze %dma_start3A_94 : memref<1x24xi32, #tpu.memory_space<vmem>> -> memref<24xi32, #tpu.memory_space<vmem>>
    %dma_start3A_96 = arith.constant 0 : i32
    %dma_start3A_97 = arith.constant 0 : i32
    %dma_start3A_98 = tpu.memref_slice %arg7[%dma_start3A_96, %dma_start3A_97] : memref<10112x128xf32, #tpu.memory_space<vmem_shared>> -> memref<10112x128xf32, #tpu.memory_space<vmem_shared>>
    tpu.enqueue_indirect_dma source(%dma_start3A_98 : memref<10112x128xf32, #tpu.memory_space<vmem_shared>>) target(%arg17 : memref<24x128xf32, #tpu.memory_space<vmem>>) offsets(%dma_start3A_95 : memref<24xi32, #tpu.memory_space<vmem>>) semaphore(%arg27 : memref<!tpu.dma_semaphore, #tpu.memory_space<semaphore_mem>>)
    %scan3A = arith.constant 0 : i32
    %scan3A_99 = arith.constant 0 : i32
    %scan3A_100 = arith.constant 210 : i32
    %scan3A_101 = arith.addi %scan3A_99, %scan3A_100 : i32
    %scan3A_102 = arith.constant 1 : i32
    scf.for %scan3A_105 = %scan3A_99 to %scan3A_101 step %scan3A_102  : i32 {
      %mul3A_106 = arith.constant 4 : i32
      %mul3A_107 = arith.muli %mul3A_106, %scan3A_105 : i32
      %add3A_108 = arith.constant 0 : i32
      %add3A_109 = arith.addi %mul3A_107, %add3A_108 : i32
      %add3A_110 = arith.constant 1 : i32
      %add3A_111 = arith.addi %add3A_109, %add3A_110 : i32
      %lt3A = arith.constant 840 : i32
      %lt3A_112 = arith.cmpi slt, %add3A_111, %lt3A : i32
      %convert_element_type3A = arith.extui %lt3A_112 : i1 to i32
      %cond3A = arith.constant 0 : i32
      %cond3A_113 = arith.cmpi ne, %convert_element_type3A, %cond3A : i32
      scf.if %cond3A_113 {
        %add3A_236 = arith.constant 1 : i32
        %add3A_237 = arith.addi %add3A_109, %add3A_236 : i32
        %add3A_238 = arith.addi %mul3A_4, %add3A_237 : i32
        %dma_wait3A_239 = arith.constant 0 : i32
        %dma_wait3A_240 = arith.constant 0 : i32
        %dma_wait3A_241 = tpu.memref_slice %arg3[%add3A_238, %dma_wait3A_239, %dma_wait3A_240] : memref<13440x1x24xi32, #tpu.memory_space<hbm>> -> memref<1x1x24xi32, #tpu.memory_space<hbm>>
        %dma_wait3A_242 = tpu.memref_squeeze %dma_wait3A_241 : memref<1x1x24xi32, #tpu.memory_space<hbm>> -> memref<1x24xi32, #tpu.memory_space<hbm>>
        %dma_wait3A_243 = arith.constant 0 : i32
        %dma_wait3A_244 = arith.constant 0 : i32
        %dma_wait3A_245 = tpu.memref_slice %arg3[%add3A_238, %dma_wait3A_243, %dma_wait3A_244] : memref<13440x1x24xi32, #tpu.memory_space<hbm>> -> memref<1x1x24xi32, #tpu.memory_space<hbm>>
        %dma_wait3A_246 = tpu.memref_squeeze %dma_wait3A_245 : memref<1x1x24xi32, #tpu.memory_space<hbm>> -> memref<1x24xi32, #tpu.memory_space<hbm>>
        tpu.wait_dma2 semaphore(%arg20 : memref<!tpu.dma_semaphore, #tpu.memory_space<semaphore_mem>>) src(%dma_wait3A_246 : memref<1x24xi32, #tpu.memory_space<hbm>>) dst(%arg10 : memref<1x24xi32, #tpu.memory_space<vmem>>)
        %dma_start3A_247 = arith.constant 0 : i32
        %dma_start3A_248 = arith.constant 0 : i32
        %dma_start3A_249 = tpu.memref_slice %arg10[%dma_start3A_247, %dma_start3A_248] : memref<1x24xi32, #tpu.memory_space<vmem>> -> memref<1x24xi32, #tpu.memory_space<vmem>>
        %dma_start3A_250 = tpu.memref_squeeze %dma_start3A_249 : memref<1x24xi32, #tpu.memory_space<vmem>> -> memref<24xi32, #tpu.memory_space<vmem>>
        %dma_start3A_251 = arith.constant 0 : i32
        %dma_start3A_252 = arith.constant 0 : i32
        %dma_start3A_253 = tpu.memref_slice %arg7[%dma_start3A_251, %dma_start3A_252] : memref<10112x128xf32, #tpu.memory_space<vmem_shared>> -> memref<10112x128xf32, #tpu.memory_space<vmem_shared>>
        tpu.enqueue_indirect_dma source(%dma_start3A_253 : memref<10112x128xf32, #tpu.memory_space<vmem_shared>>) target(%arg18 : memref<24x128xf32, #tpu.memory_space<vmem>>) offsets(%dma_start3A_250 : memref<24xi32, #tpu.memory_space<vmem>>) semaphore(%arg28 : memref<!tpu.dma_semaphore, #tpu.memory_space<semaphore_mem>>)
      } else {
      }
      %dma_wait3A_114 = arith.constant 0 : i32
      %dma_wait3A_115 = arith.constant 0 : i32
      %dma_wait3A_116 = tpu.memref_slice %arg9[%dma_wait3A_114, %dma_wait3A_115] : memref<1x24xi32, #tpu.memory_space<vmem>> -> memref<1x24xi32, #tpu.memory_space<vmem>>
      %dma_wait3A_117 = tpu.memref_squeeze %dma_wait3A_116 : memref<1x24xi32, #tpu.memory_space<vmem>> -> memref<24xi32, #tpu.memory_space<vmem>>
      %dma_wait3A_118 = arith.constant 0 : i32
      %dma_wait3A_119 = arith.constant 0 : i32
      %dma_wait3A_120 = tpu.memref_slice %arg7[%dma_wait3A_118, %dma_wait3A_119] : memref<10112x128xf32, #tpu.memory_space<vmem_shared>> -> memref<10112x128xf32, #tpu.memory_space<vmem_shared>>
      tpu.wait_indirect_dma semaphore(%arg27 : memref<!tpu.dma_semaphore, #tpu.memory_space<semaphore_mem>>) src(%dma_wait3A_120 : memref<10112x128xf32, #tpu.memory_space<vmem_shared>>) dst(%arg17 : memref<24x128xf32, #tpu.memory_space<vmem>>)
      %add3A_121 = arith.addi %mul3A_4, %add3A_109 : i32
      %dma_wait3A_122 = arith.constant 0 : i32
      %dma_wait3A_123 = arith.constant 0 : i32
      %dma_wait3A_124 = tpu.memref_slice %arg4[%arg0, %add3A_121, %dma_wait3A_122, %dma_wait3A_123] : memref<2x13440x1x24xi32, #tpu.memory_space<hbm>> -> memref<1x1x1x24xi32, #tpu.memory_space<hbm>>
      %dma_wait3A_125 = tpu.memref_squeeze %dma_wait3A_124 : memref<1x1x1x24xi32, #tpu.memory_space<hbm>> -> memref<1x24xi32, #tpu.memory_space<hbm>>
      %dma_wait3A_126 = arith.constant 0 : i32
      %dma_wait3A_127 = arith.constant 0 : i32
      %dma_wait3A_128 = tpu.memref_slice %arg4[%arg0, %add3A_121, %dma_wait3A_126, %dma_wait3A_127] : memref<2x13440x1x24xi32, #tpu.memory_space<hbm>> -> memref<1x1x1x24xi32, #tpu.memory_space<hbm>>
      %dma_wait3A_129 = tpu.memref_squeeze %dma_wait3A_128 : memref<1x1x1x24xi32, #tpu.memory_space<hbm>> -> memref<1x24xi32, #tpu.memory_space<hbm>>
      tpu.wait_dma2 semaphore(%arg23 : memref<!tpu.dma_semaphore, #tpu.memory_space<semaphore_mem>>) src(%dma_wait3A_129 : memref<1x24xi32, #tpu.memory_space<hbm>>) dst(%arg13 : memref<1x24xi32, #tpu.memory_space<vmem>>)
      %run_scoped3A = arith.constant 0 : i32
      "tpu.region"() ({
        %run_scoped3A_236 = tpu.sem_alloc : memref<!tpu.dma_semaphore, #tpu.memory_space<semaphore_mem>>
        %dma_start3A_237 = arith.constant 0 : i32
        %dma_start3A_238 = tpu.memref_slice %arg13[%run_scoped3A, %dma_start3A_237] : memref<1x24xi32, #tpu.memory_space<vmem>> -> memref<1x24xi32, #tpu.memory_space<vmem>>
        %dma_start3A_239 = tpu.memref_squeeze %dma_start3A_238 : memref<1x24xi32, #tpu.memory_space<vmem>> -> memref<24xi32, #tpu.memory_space<vmem>>
        %dma_start3A_240 = arith.constant 0 : i32
        %dma_start3A_241 = arith.constant 0 : i32
        %dma_start3A_242 = tpu.memref_slice %arg8[%dma_start3A_240, %dma_start3A_241] : memref<5120x128xf32, #tpu.memory_space<vmem_shared>> -> memref<5120x128xf32, #tpu.memory_space<vmem_shared>>
        tpu.enqueue_indirect_dma source(%arg17 : memref<24x128xf32, #tpu.memory_space<vmem>>) target(%dma_start3A_242 : memref<5120x128xf32, #tpu.memory_space<vmem_shared>>) offsets(%dma_start3A_239 : memref<24xi32, #tpu.memory_space<vmem>>) semaphore(%run_scoped3A_236 : memref<!tpu.dma_semaphore, #tpu.memory_space<semaphore_mem>>) {add = true}
        %dma_wait3A_243 = arith.constant 0 : i32
        %dma_wait3A_244 = tpu.memref_slice %arg13[%run_scoped3A, %dma_wait3A_243] : memref<1x24xi32, #tpu.memory_space<vmem>> -> memref<1x24xi32, #tpu.memory_space<vmem>>
        %dma_wait3A_245 = tpu.memref_squeeze %dma_wait3A_244 : memref<1x24xi32, #tpu.memory_space<vmem>> -> memref<24xi32, #tpu.memory_space<vmem>>
        %dma_wait3A_246 = arith.constant 0 : i32
        %dma_wait3A_247 = arith.constant 0 : i32
        %dma_wait3A_248 = tpu.memref_slice %arg8[%dma_wait3A_246, %dma_wait3A_247] : memref<5120x128xf32, #tpu.memory_space<vmem_shared>> -> memref<5120x128xf32, #tpu.memory_space<vmem_shared>>
        tpu.wait_indirect_dma semaphore(%run_scoped3A_236 : memref<!tpu.dma_semaphore, #tpu.memory_space<semaphore_mem>>) src(%arg17 : memref<24x128xf32, #tpu.memory_space<vmem>>) dst(%dma_wait3A_248 : memref<5120x128xf32, #tpu.memory_space<vmem_shared>>)
        tpu.yield
      }) : () -> ()
      %add3A_130 = arith.constant 4 : i32
      %add3A_131 = arith.addi %add3A_109, %add3A_130 : i32
      %lt3A_132 = arith.constant 840 : i32
      %lt3A_133 = arith.cmpi slt, %add3A_131, %lt3A_132 : i32
      %convert_element_type3A_134 = arith.extui %lt3A_133 : i1 to i32
      %cond3A_135 = arith.constant 0 : i32
      %cond3A_136 = arith.cmpi ne, %convert_element_type3A_134, %cond3A_135 : i32
      scf.if %cond3A_136 {
        %add3A_236 = arith.constant 4 : i32
        %add3A_237 = arith.addi %add3A_109, %add3A_236 : i32
        %add3A_238 = arith.addi %mul3A_4, %add3A_237 : i32
        %dma_start3A_239 = arith.constant 0 : i32
        %dma_start3A_240 = arith.constant 0 : i32
        %dma_start3A_241 = tpu.memref_slice %arg3[%add3A_238, %dma_start3A_239, %dma_start3A_240] : memref<13440x1x24xi32, #tpu.memory_space<hbm>> -> memref<1x1x24xi32, #tpu.memory_space<hbm>>
        %dma_start3A_242 = tpu.memref_squeeze %dma_start3A_241 : memref<1x1x24xi32, #tpu.memory_space<hbm>> -> memref<1x24xi32, #tpu.memory_space<hbm>>
        %dma_start3A_243 = arith.constant 0 : i32
        %dma_start3A_244 = arith.constant 0 : i32
        %dma_start3A_245 = tpu.memref_slice %arg3[%add3A_238, %dma_start3A_243, %dma_start3A_244] : memref<13440x1x24xi32, #tpu.memory_space<hbm>> -> memref<1x1x24xi32, #tpu.memory_space<hbm>>
        %dma_start3A_246 = tpu.memref_squeeze %dma_start3A_245 : memref<1x1x24xi32, #tpu.memory_space<hbm>> -> memref<1x24xi32, #tpu.memory_space<hbm>>
        tpu.enqueue_dma source(%dma_start3A_246 : memref<1x24xi32, #tpu.memory_space<hbm>>) target(%arg9 : memref<1x24xi32, #tpu.memory_space<vmem>>) target_semaphore(%arg19 : memref<!tpu.dma_semaphore, #tpu.memory_space<semaphore_mem>>)
        %add3A_247 = arith.addi %mul3A_4, %add3A_237 : i32
        %dma_start3A_248 = arith.constant 0 : i32
        %dma_start3A_249 = arith.constant 0 : i32
        %dma_start3A_250 = tpu.memref_slice %arg4[%arg0, %add3A_247, %dma_start3A_248, %dma_start3A_249] : memref<2x13440x1x24xi32, #tpu.memory_space<hbm>> -> memref<1x1x1x24xi32, #tpu.memory_space<hbm>>
        %dma_start3A_251 = tpu.memref_squeeze %dma_start3A_250 : memref<1x1x1x24xi32, #tpu.memory_space<hbm>> -> memref<1x24xi32, #tpu.memory_space<hbm>>
        %dma_start3A_252 = arith.constant 0 : i32
        %dma_start3A_253 = arith.constant 0 : i32
        %dma_start3A_254 = tpu.memref_slice %arg4[%arg0, %add3A_247, %dma_start3A_252, %dma_start3A_253] : memref<2x13440x1x24xi32, #tpu.memory_space<hbm>> -> memref<1x1x1x24xi32, #tpu.memory_space<hbm>>
        %dma_start3A_255 = tpu.memref_squeeze %dma_start3A_254 : memref<1x1x1x24xi32, #tpu.memory_space<hbm>> -> memref<1x24xi32, #tpu.memory_space<hbm>>
        tpu.enqueue_dma source(%dma_start3A_255 : memref<1x24xi32, #tpu.memory_space<hbm>>) target(%arg13 : memref<1x24xi32, #tpu.memory_space<vmem>>) target_semaphore(%arg23 : memref<!tpu.dma_semaphore, #tpu.memory_space<semaphore_mem>>)
      } else {
      }
      %add3A_137 = arith.constant 1 : i32
      %add3A_138 = arith.addi %mul3A_107, %add3A_137 : i32
      %add3A_139 = arith.constant 1 : i32
      %add3A_140 = arith.addi %add3A_138, %add3A_139 : i32
      %lt3A_141 = arith.constant 840 : i32
      %lt3A_142 = arith.cmpi slt, %add3A_140, %lt3A_141 : i32
      %convert_element_type3A_143 = arith.extui %lt3A_142 : i1 to i32
      %cond3A_144 = arith.constant 0 : i32
      %cond3A_145 = arith.cmpi ne, %convert_element_type3A_143, %cond3A_144 : i32
      scf.if %cond3A_145 {
        %add3A_236 = arith.constant 1 : i32
        %add3A_237 = arith.addi %add3A_138, %add3A_236 : i32
        %add3A_238 = arith.addi %mul3A_4, %add3A_237 : i32
        %dma_wait3A_239 = arith.constant 0 : i32
        %dma_wait3A_240 = arith.constant 0 : i32
        %dma_wait3A_241 = tpu.memref_slice %arg3[%add3A_238, %dma_wait3A_239, %dma_wait3A_240] : memref<13440x1x24xi32, #tpu.memory_space<hbm>> -> memref<1x1x24xi32, #tpu.memory_space<hbm>>
        %dma_wait3A_242 = tpu.memref_squeeze %dma_wait3A_241 : memref<1x1x24xi32, #tpu.memory_space<hbm>> -> memref<1x24xi32, #tpu.memory_space<hbm>>
        %dma_wait3A_243 = arith.constant 0 : i32
        %dma_wait3A_244 = arith.constant 0 : i32
        %dma_wait3A_245 = tpu.memref_slice %arg3[%add3A_238, %dma_wait3A_243, %dma_wait3A_244] : memref<13440x1x24xi32, #tpu.memory_space<hbm>> -> memref<1x1x24xi32, #tpu.memory_space<hbm>>
        %dma_wait3A_246 = tpu.memref_squeeze %dma_wait3A_245 : memref<1x1x24xi32, #tpu.memory_space<hbm>> -> memref<1x24xi32, #tpu.memory_space<hbm>>
        tpu.wait_dma2 semaphore(%arg21 : memref<!tpu.dma_semaphore, #tpu.memory_space<semaphore_mem>>) src(%dma_wait3A_246 : memref<1x24xi32, #tpu.memory_space<hbm>>) dst(%arg11 : memref<1x24xi32, #tpu.memory_space<vmem>>)
        %dma_start3A_247 = arith.constant 0 : i32
        %dma_start3A_248 = arith.constant 0 : i32
        %dma_start3A_249 = tpu.memref_slice %arg11[%dma_start3A_247, %dma_start3A_248] : memref<1x24xi32, #tpu.memory_space<vmem>> -> memref<1x24xi32, #tpu.memory_space<vmem>>
        %dma_start3A_250 = tpu.memref_squeeze %dma_start3A_249 : memref<1x24xi32, #tpu.memory_space<vmem>> -> memref<24xi32, #tpu.memory_space<vmem>>
        %dma_start3A_251 = arith.constant 0 : i32
        %dma_start3A_252 = arith.constant 0 : i32
        %dma_start3A_253 = tpu.memref_slice %arg7[%dma_start3A_251, %dma_start3A_252] : memref<10112x128xf32, #tpu.memory_space<vmem_shared>> -> memref<10112x128xf32, #tpu.memory_space<vmem_shared>>
        tpu.enqueue_indirect_dma source(%dma_start3A_253 : memref<10112x128xf32, #tpu.memory_space<vmem_shared>>) target(%arg17 : memref<24x128xf32, #tpu.memory_space<vmem>>) offsets(%dma_start3A_250 : memref<24xi32, #tpu.memory_space<vmem>>) semaphore(%arg27 : memref<!tpu.dma_semaphore, #tpu.memory_space<semaphore_mem>>)
      } else {
      }
      %dma_wait3A_146 = arith.constant 0 : i32
      %dma_wait3A_147 = arith.constant 0 : i32
      %dma_wait3A_148 = tpu.memref_slice %arg10[%dma_wait3A_146, %dma_wait3A_147] : memref<1x24xi32, #tpu.memory_space<vmem>> -> memref<1x24xi32, #tpu.memory_space<vmem>>
      %dma_wait3A_149 = tpu.memref_squeeze %dma_wait3A_148 : memref<1x24xi32, #tpu.memory_space<vmem>> -> memref<24xi32, #tpu.memory_space<vmem>>
      %dma_wait3A_150 = arith.constant 0 : i32
      %dma_wait3A_151 = arith.constant 0 : i32
      %dma_wait3A_152 = tpu.memref_slice %arg7[%dma_wait3A_150, %dma_wait3A_151] : memref<10112x128xf32, #tpu.memory_space<vmem_shared>> -> memref<10112x128xf32, #tpu.memory_space<vmem_shared>>
      tpu.wait_indirect_dma semaphore(%arg28 : memref<!tpu.dma_semaphore, #tpu.memory_space<semaphore_mem>>) src(%dma_wait3A_152 : memref<10112x128xf32, #tpu.memory_space<vmem_shared>>) dst(%arg18 : memref<24x128xf32, #tpu.memory_space<vmem>>)
      %add3A_153 = arith.addi %mul3A_4, %add3A_138 : i32
      %dma_wait3A_154 = arith.constant 0 : i32
      %dma_wait3A_155 = arith.constant 0 : i32
      %dma_wait3A_156 = tpu.memref_slice %arg4[%arg0, %add3A_153, %dma_wait3A_154, %dma_wait3A_155] : memref<2x13440x1x24xi32, #tpu.memory_space<hbm>> -> memref<1x1x1x24xi32, #tpu.memory_space<hbm>>
      %dma_wait3A_157 = tpu.memref_squeeze %dma_wait3A_156 : memref<1x1x1x24xi32, #tpu.memory_space<hbm>> -> memref<1x24xi32, #tpu.memory_space<hbm>>
      %dma_wait3A_158 = arith.constant 0 : i32
      %dma_wait3A_159 = arith.constant 0 : i32
      %dma_wait3A_160 = tpu.memref_slice %arg4[%arg0, %add3A_153, %dma_wait3A_158, %dma_wait3A_159] : memref<2x13440x1x24xi32, #tpu.memory_space<hbm>> -> memref<1x1x1x24xi32, #tpu.memory_space<hbm>>
      %dma_wait3A_161 = tpu.memref_squeeze %dma_wait3A_160 : memref<1x1x1x24xi32, #tpu.memory_space<hbm>> -> memref<1x24xi32, #tpu.memory_space<hbm>>
      tpu.wait_dma2 semaphore(%arg24 : memref<!tpu.dma_semaphore, #tpu.memory_space<semaphore_mem>>) src(%dma_wait3A_161 : memref<1x24xi32, #tpu.memory_space<hbm>>) dst(%arg14 : memref<1x24xi32, #tpu.memory_space<vmem>>)
      %run_scoped3A_162 = arith.constant 0 : i32
      "tpu.region"() ({
        %run_scoped3A_236 = tpu.sem_alloc : memref<!tpu.dma_semaphore, #tpu.memory_space<semaphore_mem>>
        %dma_start3A_237 = arith.constant 0 : i32
        %dma_start3A_238 = tpu.memref_slice %arg14[%run_scoped3A_162, %dma_start3A_237] : memref<1x24xi32, #tpu.memory_space<vmem>> -> memref<1x24xi32, #tpu.memory_space<vmem>>
        %dma_start3A_239 = tpu.memref_squeeze %dma_start3A_238 : memref<1x24xi32, #tpu.memory_space<vmem>> -> memref<24xi32, #tpu.memory_space<vmem>>
        %dma_start3A_240 = arith.constant 0 : i32
        %dma_start3A_241 = arith.constant 0 : i32
        %dma_start3A_242 = tpu.memref_slice %arg8[%dma_start3A_240, %dma_start3A_241] : memref<5120x128xf32, #tpu.memory_space<vmem_shared>> -> memref<5120x128xf32, #tpu.memory_space<vmem_shared>>
        tpu.enqueue_indirect_dma source(%arg18 : memref<24x128xf32, #tpu.memory_space<vmem>>) target(%dma_start3A_242 : memref<5120x128xf32, #tpu.memory_space<vmem_shared>>) offsets(%dma_start3A_239 : memref<24xi32, #tpu.memory_space<vmem>>) semaphore(%run_scoped3A_236 : memref<!tpu.dma_semaphore, #tpu.memory_space<semaphore_mem>>) {add = true}
        %dma_wait3A_243 = arith.constant 0 : i32
        %dma_wait3A_244 = tpu.memref_slice %arg14[%run_scoped3A_162, %dma_wait3A_243] : memref<1x24xi32, #tpu.memory_space<vmem>> -> memref<1x24xi32, #tpu.memory_space<vmem>>
        %dma_wait3A_245 = tpu.memref_squeeze %dma_wait3A_244 : memref<1x24xi32, #tpu.memory_space<vmem>> -> memref<24xi32, #tpu.memory_space<vmem>>
        %dma_wait3A_246 = arith.constant 0 : i32
        %dma_wait3A_247 = arith.constant 0 : i32
        %dma_wait3A_248 = tpu.memref_slice %arg8[%dma_wait3A_246, %dma_wait3A_247] : memref<5120x128xf32, #tpu.memory_space<vmem_shared>> -> memref<5120x128xf32, #tpu.memory_space<vmem_shared>>
        tpu.wait_indirect_dma semaphore(%run_scoped3A_236 : memref<!tpu.dma_semaphore, #tpu.memory_space<semaphore_mem>>) src(%arg18 : memref<24x128xf32, #tpu.memory_space<vmem>>) dst(%dma_wait3A_248 : memref<5120x128xf32, #tpu.memory_space<vmem_shared>>)
        tpu.yield
      }) : () -> ()
      %add3A_163 = arith.constant 4 : i32
      %add3A_164 = arith.addi %add3A_138, %add3A_163 : i32
      %lt3A_165 = arith.constant 840 : i32
      %lt3A_166 = arith.cmpi slt, %add3A_164, %lt3A_165 : i32
      %convert_element_type3A_167 = arith.extui %lt3A_166 : i1 to i32
      %cond3A_168 = arith.constant 0 : i32
      %cond3A_169 = arith.cmpi ne, %convert_element_type3A_167, %cond3A_168 : i32
      scf.if %cond3A_169 {
        %add3A_236 = arith.constant 4 : i32
        %add3A_237 = arith.addi %add3A_138, %add3A_236 : i32
        %add3A_238 = arith.addi %mul3A_4, %add3A_237 : i32
        %dma_start3A_239 = arith.constant 0 : i32
        %dma_start3A_240 = arith.constant 0 : i32
        %dma_start3A_241 = tpu.memref_slice %arg3[%add3A_238, %dma_start3A_239, %dma_start3A_240] : memref<13440x1x24xi32, #tpu.memory_space<hbm>> -> memref<1x1x24xi32, #tpu.memory_space<hbm>>
        %dma_start3A_242 = tpu.memref_squeeze %dma_start3A_241 : memref<1x1x24xi32, #tpu.memory_space<hbm>> -> memref<1x24xi32, #tpu.memory_space<hbm>>
        %dma_start3A_243 = arith.constant 0 : i32
        %dma_start3A_244 = arith.constant 0 : i32
        %dma_start3A_245 = tpu.memref_slice %arg3[%add3A_238, %dma_start3A_243, %dma_start3A_244] : memref<13440x1x24xi32, #tpu.memory_space<hbm>> -> memref<1x1x24xi32, #tpu.memory_space<hbm>>
        %dma_start3A_246 = tpu.memref_squeeze %dma_start3A_245 : memref<1x1x24xi32, #tpu.memory_space<hbm>> -> memref<1x24xi32, #tpu.memory_space<hbm>>
        tpu.enqueue_dma source(%dma_start3A_246 : memref<1x24xi32, #tpu.memory_space<hbm>>) target(%arg10 : memref<1x24xi32, #tpu.memory_space<vmem>>) target_semaphore(%arg20 : memref<!tpu.dma_semaphore, #tpu.memory_space<semaphore_mem>>)
        %add3A_247 = arith.addi %mul3A_4, %add3A_237 : i32
        %dma_start3A_248 = arith.constant 0 : i32
        %dma_start3A_249 = arith.constant 0 : i32
        %dma_start3A_250 = tpu.memref_slice %arg4[%arg0, %add3A_247, %dma_start3A_248, %dma_start3A_249] : memref<2x13440x1x24xi32, #tpu.memory_space<hbm>> -> memref<1x1x1x24xi32, #tpu.memory_space<hbm>>
        %dma_start3A_251 = tpu.memref_squeeze %dma_start3A_250 : memref<1x1x1x24xi32, #tpu.memory_space<hbm>> -> memref<1x24xi32, #tpu.memory_space<hbm>>
        %dma_start3A_252 = arith.constant 0 : i32
        %dma_start3A_253 = arith.constant 0 : i32
        %dma_start3A_254 = tpu.memref_slice %arg4[%arg0, %add3A_247, %dma_start3A_252, %dma_start3A_253] : memref<2x13440x1x24xi32, #tpu.memory_space<hbm>> -> memref<1x1x1x24xi32, #tpu.memory_space<hbm>>
        %dma_start3A_255 = tpu.memref_squeeze %dma_start3A_254 : memref<1x1x1x24xi32, #tpu.memory_space<hbm>> -> memref<1x24xi32, #tpu.memory_space<hbm>>
        tpu.enqueue_dma source(%dma_start3A_255 : memref<1x24xi32, #tpu.memory_space<hbm>>) target(%arg14 : memref<1x24xi32, #tpu.memory_space<vmem>>) target_semaphore(%arg24 : memref<!tpu.dma_semaphore, #tpu.memory_space<semaphore_mem>>)
      } else {
      }
      %add3A_170 = arith.constant 2 : i32
      %add3A_171 = arith.addi %mul3A_107, %add3A_170 : i32
      %add3A_172 = arith.constant 1 : i32
      %add3A_173 = arith.addi %add3A_171, %add3A_172 : i32
      %lt3A_174 = arith.constant 840 : i32
      %lt3A_175 = arith.cmpi slt, %add3A_173, %lt3A_174 : i32
      %convert_element_type3A_176 = arith.extui %lt3A_175 : i1 to i32
      %cond3A_177 = arith.constant 0 : i32
      %cond3A_178 = arith.cmpi ne, %convert_element_type3A_176, %cond3A_177 : i32
      scf.if %cond3A_178 {
        %add3A_236 = arith.constant 1 : i32
        %add3A_237 = arith.addi %add3A_171, %add3A_236 : i32
        %add3A_238 = arith.addi %mul3A_4, %add3A_237 : i32
        %dma_wait3A_239 = arith.constant 0 : i32
        %dma_wait3A_240 = arith.constant 0 : i32
        %dma_wait3A_241 = tpu.memref_slice %arg3[%add3A_238, %dma_wait3A_239, %dma_wait3A_240] : memref<13440x1x24xi32, #tpu.memory_space<hbm>> -> memref<1x1x24xi32, #tpu.memory_space<hbm>>
        %dma_wait3A_242 = tpu.memref_squeeze %dma_wait3A_241 : memref<1x1x24xi32, #tpu.memory_space<hbm>> -> memref<1x24xi32, #tpu.memory_space<hbm>>
        %dma_wait3A_243 = arith.constant 0 : i32
        %dma_wait3A_244 = arith.constant 0 : i32
        %dma_wait3A_245 = tpu.memref_slice %arg3[%add3A_238, %dma_wait3A_243, %dma_wait3A_244] : memref<13440x1x24xi32, #tpu.memory_space<hbm>> -> memref<1x1x24xi32, #tpu.memory_space<hbm>>
        %dma_wait3A_246 = tpu.memref_squeeze %dma_wait3A_245 : memref<1x1x24xi32, #tpu.memory_space<hbm>> -> memref<1x24xi32, #tpu.memory_space<hbm>>
        tpu.wait_dma2 semaphore(%arg22 : memref<!tpu.dma_semaphore, #tpu.memory_space<semaphore_mem>>) src(%dma_wait3A_246 : memref<1x24xi32, #tpu.memory_space<hbm>>) dst(%arg12 : memref<1x24xi32, #tpu.memory_space<vmem>>)
        %dma_start3A_247 = arith.constant 0 : i32
        %dma_start3A_248 = arith.constant 0 : i32
        %dma_start3A_249 = tpu.memref_slice %arg12[%dma_start3A_247, %dma_start3A_248] : memref<1x24xi32, #tpu.memory_space<vmem>> -> memref<1x24xi32, #tpu.memory_space<vmem>>
        %dma_start3A_250 = tpu.memref_squeeze %dma_start3A_249 : memref<1x24xi32, #tpu.memory_space<vmem>> -> memref<24xi32, #tpu.memory_space<vmem>>
        %dma_start3A_251 = arith.constant 0 : i32
        %dma_start3A_252 = arith.constant 0 : i32
        %dma_start3A_253 = tpu.memref_slice %arg7[%dma_start3A_251, %dma_start3A_252] : memref<10112x128xf32, #tpu.memory_space<vmem_shared>> -> memref<10112x128xf32, #tpu.memory_space<vmem_shared>>
        tpu.enqueue_indirect_dma source(%dma_start3A_253 : memref<10112x128xf32, #tpu.memory_space<vmem_shared>>) target(%arg18 : memref<24x128xf32, #tpu.memory_space<vmem>>) offsets(%dma_start3A_250 : memref<24xi32, #tpu.memory_space<vmem>>) semaphore(%arg28 : memref<!tpu.dma_semaphore, #tpu.memory_space<semaphore_mem>>)
      } else {
      }
      %dma_wait3A_179 = arith.constant 0 : i32
      %dma_wait3A_180 = arith.constant 0 : i32
      %dma_wait3A_181 = tpu.memref_slice %arg11[%dma_wait3A_179, %dma_wait3A_180] : memref<1x24xi32, #tpu.memory_space<vmem>> -> memref<1x24xi32, #tpu.memory_space<vmem>>
      %dma_wait3A_182 = tpu.memref_squeeze %dma_wait3A_181 : memref<1x24xi32, #tpu.memory_space<vmem>> -> memref<24xi32, #tpu.memory_space<vmem>>
      %dma_wait3A_183 = arith.constant 0 : i32
      %dma_wait3A_184 = arith.constant 0 : i32
      %dma_wait3A_185 = tpu.memref_slice %arg7[%dma_wait3A_183, %dma_wait3A_184] : memref<10112x128xf32, #tpu.memory_space<vmem_shared>> -> memref<10112x128xf32, #tpu.memory_space<vmem_shared>>
      tpu.wait_indirect_dma semaphore(%arg27 : memref<!tpu.dma_semaphore, #tpu.memory_space<semaphore_mem>>) src(%dma_wait3A_185 : memref<10112x128xf32, #tpu.memory_space<vmem_shared>>) dst(%arg17 : memref<24x128xf32, #tpu.memory_space<vmem>>)
      %add3A_186 = arith.addi %mul3A_4, %add3A_171 : i32
      %dma_wait3A_187 = arith.constant 0 : i32
      %dma_wait3A_188 = arith.constant 0 : i32
      %dma_wait3A_189 = tpu.memref_slice %arg4[%arg0, %add3A_186, %dma_wait3A_187, %dma_wait3A_188] : memref<2x13440x1x24xi32, #tpu.memory_space<hbm>> -> memref<1x1x1x24xi32, #tpu.memory_space<hbm>>
      %dma_wait3A_190 = tpu.memref_squeeze %dma_wait3A_189 : memref<1x1x1x24xi32, #tpu.memory_space<hbm>> -> memref<1x24xi32, #tpu.memory_space<hbm>>
      %dma_wait3A_191 = arith.constant 0 : i32
      %dma_wait3A_192 = arith.constant 0 : i32
      %dma_wait3A_193 = tpu.memref_slice %arg4[%arg0, %add3A_186, %dma_wait3A_191, %dma_wait3A_192] : memref<2x13440x1x24xi32, #tpu.memory_space<hbm>> -> memref<1x1x1x24xi32, #tpu.memory_space<hbm>>
      %dma_wait3A_194 = tpu.memref_squeeze %dma_wait3A_193 : memref<1x1x1x24xi32, #tpu.memory_space<hbm>> -> memref<1x24xi32, #tpu.memory_space<hbm>>
      tpu.wait_dma2 semaphore(%arg25 : memref<!tpu.dma_semaphore, #tpu.memory_space<semaphore_mem>>) src(%dma_wait3A_194 : memref<1x24xi32, #tpu.memory_space<hbm>>) dst(%arg15 : memref<1x24xi32, #tpu.memory_space<vmem>>)
      %run_scoped3A_195 = arith.constant 0 : i32
      "tpu.region"() ({
        %run_scoped3A_236 = tpu.sem_alloc : memref<!tpu.dma_semaphore, #tpu.memory_space<semaphore_mem>>
        %dma_start3A_237 = arith.constant 0 : i32
        %dma_start3A_238 = tpu.memref_slice %arg15[%run_scoped3A_195, %dma_start3A_237] : memref<1x24xi32, #tpu.memory_space<vmem>> -> memref<1x24xi32, #tpu.memory_space<vmem>>
        %dma_start3A_239 = tpu.memref_squeeze %dma_start3A_238 : memref<1x24xi32, #tpu.memory_space<vmem>> -> memref<24xi32, #tpu.memory_space<vmem>>
        %dma_start3A_240 = arith.constant 0 : i32
        %dma_start3A_241 = arith.constant 0 : i32
        %dma_start3A_242 = tpu.memref_slice %arg8[%dma_start3A_240, %dma_start3A_241] : memref<5120x128xf32, #tpu.memory_space<vmem_shared>> -> memref<5120x128xf32, #tpu.memory_space<vmem_shared>>
        tpu.enqueue_indirect_dma source(%arg17 : memref<24x128xf32, #tpu.memory_space<vmem>>) target(%dma_start3A_242 : memref<5120x128xf32, #tpu.memory_space<vmem_shared>>) offsets(%dma_start3A_239 : memref<24xi32, #tpu.memory_space<vmem>>) semaphore(%run_scoped3A_236 : memref<!tpu.dma_semaphore, #tpu.memory_space<semaphore_mem>>) {add = true}
        %dma_wait3A_243 = arith.constant 0 : i32
        %dma_wait3A_244 = tpu.memref_slice %arg15[%run_scoped3A_195, %dma_wait3A_243] : memref<1x24xi32, #tpu.memory_space<vmem>> -> memref<1x24xi32, #tpu.memory_space<vmem>>
        %dma_wait3A_245 = tpu.memref_squeeze %dma_wait3A_244 : memref<1x24xi32, #tpu.memory_space<vmem>> -> memref<24xi32, #tpu.memory_space<vmem>>
        %dma_wait3A_246 = arith.constant 0 : i32
        %dma_wait3A_247 = arith.constant 0 : i32
        %dma_wait3A_248 = tpu.memref_slice %arg8[%dma_wait3A_246, %dma_wait3A_247] : memref<5120x128xf32, #tpu.memory_space<vmem_shared>> -> memref<5120x128xf32, #tpu.memory_space<vmem_shared>>
        tpu.wait_indirect_dma semaphore(%run_scoped3A_236 : memref<!tpu.dma_semaphore, #tpu.memory_space<semaphore_mem>>) src(%arg17 : memref<24x128xf32, #tpu.memory_space<vmem>>) dst(%dma_wait3A_248 : memref<5120x128xf32, #tpu.memory_space<vmem_shared>>)
        tpu.yield
      }) : () -> ()
      %add3A_196 = arith.constant 4 : i32
      %add3A_197 = arith.addi %add3A_171, %add3A_196 : i32
      %lt3A_198 = arith.constant 840 : i32
      %lt3A_199 = arith.cmpi slt, %add3A_197, %lt3A_198 : i32
      %convert_element_type3A_200 = arith.extui %lt3A_199 : i1 to i32
      %cond3A_201 = arith.constant 0 : i32
      %cond3A_202 = arith.cmpi ne, %convert_element_type3A_200, %cond3A_201 : i32
      scf.if %cond3A_202 {
        %add3A_236 = arith.constant 4 : i32
        %add3A_237 = arith.addi %add3A_171, %add3A_236 : i32
        %add3A_238 = arith.addi %mul3A_4, %add3A_237 : i32
        %dma_start3A_239 = arith.constant 0 : i32
        %dma_start3A_240 = arith.constant 0 : i32
        %dma_start3A_241 = tpu.memref_slice %arg3[%add3A_238, %dma_start3A_239, %dma_start3A_240] : memref<13440x1x24xi32, #tpu.memory_space<hbm>> -> memref<1x1x24xi32, #tpu.memory_space<hbm>>
        %dma_start3A_242 = tpu.memref_squeeze %dma_start3A_241 : memref<1x1x24xi32, #tpu.memory_space<hbm>> -> memref<1x24xi32, #tpu.memory_space<hbm>>
        %dma_start3A_243 = arith.constant 0 : i32
        %dma_start3A_244 = arith.constant 0 : i32
        %dma_start3A_245 = tpu.memref_slice %arg3[%add3A_238, %dma_start3A_243, %dma_start3A_244] : memref<13440x1x24xi32, #tpu.memory_space<hbm>> -> memref<1x1x24xi32, #tpu.memory_space<hbm>>
        %dma_start3A_246 = tpu.memref_squeeze %dma_start3A_245 : memref<1x1x24xi32, #tpu.memory_space<hbm>> -> memref<1x24xi32, #tpu.memory_space<hbm>>
        tpu.enqueue_dma source(%dma_start3A_246 : memref<1x24xi32, #tpu.memory_space<hbm>>) target(%arg11 : memref<1x24xi32, #tpu.memory_space<vmem>>) target_semaphore(%arg21 : memref<!tpu.dma_semaphore, #tpu.memory_space<semaphore_mem>>)
        %add3A_247 = arith.addi %mul3A_4, %add3A_237 : i32
        %dma_start3A_248 = arith.constant 0 : i32
        %dma_start3A_249 = arith.constant 0 : i32
        %dma_start3A_250 = tpu.memref_slice %arg4[%arg0, %add3A_247, %dma_start3A_248, %dma_start3A_249] : memref<2x13440x1x24xi32, #tpu.memory_space<hbm>> -> memref<1x1x1x24xi32, #tpu.memory_space<hbm>>
        %dma_start3A_251 = tpu.memref_squeeze %dma_start3A_250 : memref<1x1x1x24xi32, #tpu.memory_space<hbm>> -> memref<1x24xi32, #tpu.memory_space<hbm>>
        %dma_start3A_252 = arith.constant 0 : i32
        %dma_start3A_253 = arith.constant 0 : i32
        %dma_start3A_254 = tpu.memref_slice %arg4[%arg0, %add3A_247, %dma_start3A_252, %dma_start3A_253] : memref<2x13440x1x24xi32, #tpu.memory_space<hbm>> -> memref<1x1x1x24xi32, #tpu.memory_space<hbm>>
        %dma_start3A_255 = tpu.memref_squeeze %dma_start3A_254 : memref<1x1x1x24xi32, #tpu.memory_space<hbm>> -> memref<1x24xi32, #tpu.memory_space<hbm>>
        tpu.enqueue_dma source(%dma_start3A_255 : memref<1x24xi32, #tpu.memory_space<hbm>>) target(%arg15 : memref<1x24xi32, #tpu.memory_space<vmem>>) target_semaphore(%arg25 : memref<!tpu.dma_semaphore, #tpu.memory_space<semaphore_mem>>)
      } else {
      }
      %add3A_203 = arith.constant 3 : i32
      %add3A_204 = arith.addi %mul3A_107, %add3A_203 : i32
      %add3A_205 = arith.constant 1 : i32
      %add3A_206 = arith.addi %add3A_204, %add3A_205 : i32
      %lt3A_207 = arith.constant 840 : i32
      %lt3A_208 = arith.cmpi slt, %add3A_206, %lt3A_207 : i32
      %convert_element_type3A_209 = arith.extui %lt3A_208 : i1 to i32
      %cond3A_210 = arith.constant 0 : i32
      %cond3A_211 = arith.cmpi ne, %convert_element_type3A_209, %cond3A_210 : i32
      scf.if %cond3A_211 {
        %add3A_236 = arith.constant 1 : i32
        %add3A_237 = arith.addi %add3A_204, %add3A_236 : i32
        %add3A_238 = arith.addi %mul3A_4, %add3A_237 : i32
        %dma_wait3A_239 = arith.constant 0 : i32
        %dma_wait3A_240 = arith.constant 0 : i32
        %dma_wait3A_241 = tpu.memref_slice %arg3[%add3A_238, %dma_wait3A_239, %dma_wait3A_240] : memref<13440x1x24xi32, #tpu.memory_space<hbm>> -> memref<1x1x24xi32, #tpu.memory_space<hbm>>
        %dma_wait3A_242 = tpu.memref_squeeze %dma_wait3A_241 : memref<1x1x24xi32, #tpu.memory_space<hbm>> -> memref<1x24xi32, #tpu.memory_space<hbm>>
        %dma_wait3A_243 = arith.constant 0 : i32
        %dma_wait3A_244 = arith.constant 0 : i32
        %dma_wait3A_245 = tpu.memref_slice %arg3[%add3A_238, %dma_wait3A_243, %dma_wait3A_244] : memref<13440x1x24xi32, #tpu.memory_space<hbm>> -> memref<1x1x24xi32, #tpu.memory_space<hbm>>
        %dma_wait3A_246 = tpu.memref_squeeze %dma_wait3A_245 : memref<1x1x24xi32, #tpu.memory_space<hbm>> -> memref<1x24xi32, #tpu.memory_space<hbm>>
        tpu.wait_dma2 semaphore(%arg19 : memref<!tpu.dma_semaphore, #tpu.memory_space<semaphore_mem>>) src(%dma_wait3A_246 : memref<1x24xi32, #tpu.memory_space<hbm>>) dst(%arg9 : memref<1x24xi32, #tpu.memory_space<vmem>>)
        %dma_start3A_247 = arith.constant 0 : i32
        %dma_start3A_248 = arith.constant 0 : i32
        %dma_start3A_249 = tpu.memref_slice %arg9[%dma_start3A_247, %dma_start3A_248] : memref<1x24xi32, #tpu.memory_space<vmem>> -> memref<1x24xi32, #tpu.memory_space<vmem>>
        %dma_start3A_250 = tpu.memref_squeeze %dma_start3A_249 : memref<1x24xi32, #tpu.memory_space<vmem>> -> memref<24xi32, #tpu.memory_space<vmem>>
        %dma_start3A_251 = arith.constant 0 : i32
        %dma_start3A_252 = arith.constant 0 : i32
        %dma_start3A_253 = tpu.memref_slice %arg7[%dma_start3A_251, %dma_start3A_252] : memref<10112x128xf32, #tpu.memory_space<vmem_shared>> -> memref<10112x128xf32, #tpu.memory_space<vmem_shared>>
        tpu.enqueue_indirect_dma source(%dma_start3A_253 : memref<10112x128xf32, #tpu.memory_space<vmem_shared>>) target(%arg17 : memref<24x128xf32, #tpu.memory_space<vmem>>) offsets(%dma_start3A_250 : memref<24xi32, #tpu.memory_space<vmem>>) semaphore(%arg27 : memref<!tpu.dma_semaphore, #tpu.memory_space<semaphore_mem>>)
      } else {
      }
      %dma_wait3A_212 = arith.constant 0 : i32
      %dma_wait3A_213 = arith.constant 0 : i32
      %dma_wait3A_214 = tpu.memref_slice %arg12[%dma_wait3A_212, %dma_wait3A_213] : memref<1x24xi32, #tpu.memory_space<vmem>> -> memref<1x24xi32, #tpu.memory_space<vmem>>
      %dma_wait3A_215 = tpu.memref_squeeze %dma_wait3A_214 : memref<1x24xi32, #tpu.memory_space<vmem>> -> memref<24xi32, #tpu.memory_space<vmem>>
      %dma_wait3A_216 = arith.constant 0 : i32
      %dma_wait3A_217 = arith.constant 0 : i32
      %dma_wait3A_218 = tpu.memref_slice %arg7[%dma_wait3A_216, %dma_wait3A_217] : memref<10112x128xf32, #tpu.memory_space<vmem_shared>> -> memref<10112x128xf32, #tpu.memory_space<vmem_shared>>
      tpu.wait_indirect_dma semaphore(%arg28 : memref<!tpu.dma_semaphore, #tpu.memory_space<semaphore_mem>>) src(%dma_wait3A_218 : memref<10112x128xf32, #tpu.memory_space<vmem_shared>>) dst(%arg18 : memref<24x128xf32, #tpu.memory_space<vmem>>)
      %add3A_219 = arith.addi %mul3A_4, %add3A_204 : i32
      %dma_wait3A_220 = arith.constant 0 : i32
      %dma_wait3A_221 = arith.constant 0 : i32
      %dma_wait3A_222 = tpu.memref_slice %arg4[%arg0, %add3A_219, %dma_wait3A_220, %dma_wait3A_221] : memref<2x13440x1x24xi32, #tpu.memory_space<hbm>> -> memref<1x1x1x24xi32, #tpu.memory_space<hbm>>
      %dma_wait3A_223 = tpu.memref_squeeze %dma_wait3A_222 : memref<1x1x1x24xi32, #tpu.memory_space<hbm>> -> memref<1x24xi32, #tpu.memory_space<hbm>>
      %dma_wait3A_224 = arith.constant 0 : i32
      %dma_wait3A_225 = arith.constant 0 : i32
      %dma_wait3A_226 = tpu.memref_slice %arg4[%arg0, %add3A_219, %dma_wait3A_224, %dma_wait3A_225] : memref<2x13440x1x24xi32, #tpu.memory_space<hbm>> -> memref<1x1x1x24xi32, #tpu.memory_space<hbm>>
      %dma_wait3A_227 = tpu.memref_squeeze %dma_wait3A_226 : memref<1x1x1x24xi32, #tpu.memory_space<hbm>> -> memref<1x24xi32, #tpu.memory_space<hbm>>
      tpu.wait_dma2 semaphore(%arg26 : memref<!tpu.dma_semaphore, #tpu.memory_space<semaphore_mem>>) src(%dma_wait3A_227 : memref<1x24xi32, #tpu.memory_space<hbm>>) dst(%arg16 : memref<1x24xi32, #tpu.memory_space<vmem>>)
      %run_scoped3A_228 = arith.constant 0 : i32
      "tpu.region"() ({
        %run_scoped3A_236 = tpu.sem_alloc : memref<!tpu.dma_semaphore, #tpu.memory_space<semaphore_mem>>
        %dma_start3A_237 = arith.constant 0 : i32
        %dma_start3A_238 = tpu.memref_slice %arg16[%run_scoped3A_228, %dma_start3A_237] : memref<1x24xi32, #tpu.memory_space<vmem>> -> memref<1x24xi32, #tpu.memory_space<vmem>>
        %dma_start3A_239 = tpu.memref_squeeze %dma_start3A_238 : memref<1x24xi32, #tpu.memory_space<vmem>> -> memref<24xi32, #tpu.memory_space<vmem>>
        %dma_start3A_240 = arith.constant 0 : i32
        %dma_start3A_241 = arith.constant 0 : i32
        %dma_start3A_242 = tpu.memref_slice %arg8[%dma_start3A_240, %dma_start3A_241] : memref<5120x128xf32, #tpu.memory_space<vmem_shared>> -> memref<5120x128xf32, #tpu.memory_space<vmem_shared>>
        tpu.enqueue_indirect_dma source(%arg18 : memref<24x128xf32, #tpu.memory_space<vmem>>) target(%dma_start3A_242 : memref<5120x128xf32, #tpu.memory_space<vmem_shared>>) offsets(%dma_start3A_239 : memref<24xi32, #tpu.memory_space<vmem>>) semaphore(%run_scoped3A_236 : memref<!tpu.dma_semaphore, #tpu.memory_space<semaphore_mem>>) {add = true}
        %dma_wait3A_243 = arith.constant 0 : i32
        %dma_wait3A_244 = tpu.memref_slice %arg16[%run_scoped3A_228, %dma_wait3A_243] : memref<1x24xi32, #tpu.memory_space<vmem>> -> memref<1x24xi32, #tpu.memory_space<vmem>>
        %dma_wait3A_245 = tpu.memref_squeeze %dma_wait3A_244 : memref<1x24xi32, #tpu.memory_space<vmem>> -> memref<24xi32, #tpu.memory_space<vmem>>
        %dma_wait3A_246 = arith.constant 0 : i32
        %dma_wait3A_247 = arith.constant 0 : i32
        %dma_wait3A_248 = tpu.memref_slice %arg8[%dma_wait3A_246, %dma_wait3A_247] : memref<5120x128xf32, #tpu.memory_space<vmem_shared>> -> memref<5120x128xf32, #tpu.memory_space<vmem_shared>>
        tpu.wait_indirect_dma semaphore(%run_scoped3A_236 : memref<!tpu.dma_semaphore, #tpu.memory_space<semaphore_mem>>) src(%arg18 : memref<24x128xf32, #tpu.memory_space<vmem>>) dst(%dma_wait3A_248 : memref<5120x128xf32, #tpu.memory_space<vmem_shared>>)
        tpu.yield
      }) : () -> ()
      %add3A_229 = arith.constant 4 : i32
      %add3A_230 = arith.addi %add3A_204, %add3A_229 : i32
      %lt3A_231 = arith.constant 840 : i32
      %lt3A_232 = arith.cmpi slt, %add3A_230, %lt3A_231 : i32
      %convert_element_type3A_233 = arith.extui %lt3A_232 : i1 to i32
      %cond3A_234 = arith.constant 0 : i32
      %cond3A_235 = arith.cmpi ne, %convert_element_type3A_233, %cond3A_234 : i32
      scf.if %cond3A_235 {
        %add3A_236 = arith.constant 4 : i32
        %add3A_237 = arith.addi %add3A_204, %add3A_236 : i32
        %add3A_238 = arith.addi %mul3A_4, %add3A_237 : i32
        %dma_start3A_239 = arith.constant 0 : i32
        %dma_start3A_240 = arith.constant 0 : i32
        %dma_start3A_241 = tpu.memref_slice %arg3[%add3A_238, %dma_start3A_239, %dma_start3A_240] : memref<13440x1x24xi32, #tpu.memory_space<hbm>> -> memref<1x1x24xi32, #tpu.memory_space<hbm>>
        %dma_start3A_242 = tpu.memref_squeeze %dma_start3A_241 : memref<1x1x24xi32, #tpu.memory_space<hbm>> -> memref<1x24xi32, #tpu.memory_space<hbm>>
        %dma_start3A_243 = arith.constant 0 : i32
        %dma_start3A_244 = arith.constant 0 : i32
        %dma_start3A_245 = tpu.memref_slice %arg3[%add3A_238, %dma_start3A_243, %dma_start3A_244] : memref<13440x1x24xi32, #tpu.memory_space<hbm>> -> memref<1x1x24xi32, #tpu.memory_space<hbm>>
        %dma_start3A_246 = tpu.memref_squeeze %dma_start3A_245 : memref<1x1x24xi32, #tpu.memory_space<hbm>> -> memref<1x24xi32, #tpu.memory_space<hbm>>
        tpu.enqueue_dma source(%dma_start3A_246 : memref<1x24xi32, #tpu.memory_space<hbm>>) target(%arg12 : memref<1x24xi32, #tpu.memory_space<vmem>>) target_semaphore(%arg22 : memref<!tpu.dma_semaphore, #tpu.memory_space<semaphore_mem>>)
        %add3A_247 = arith.addi %mul3A_4, %add3A_237 : i32
        %dma_start3A_248 = arith.constant 0 : i32
        %dma_start3A_249 = arith.constant 0 : i32
        %dma_start3A_250 = tpu.memref_slice %arg4[%arg0, %add3A_247, %dma_start3A_248, %dma_start3A_249] : memref<2x13440x1x24xi32, #tpu.memory_space<hbm>> -> memref<1x1x1x24xi32, #tpu.memory_space<hbm>>
        %dma_start3A_251 = tpu.memref_squeeze %dma_start3A_250 : memref<1x1x1x24xi32, #tpu.memory_space<hbm>> -> memref<1x24xi32, #tpu.memory_space<hbm>>
        %dma_start3A_252 = arith.constant 0 : i32
        %dma_start3A_253 = arith.constant 0 : i32
        %dma_start3A_254 = tpu.memref_slice %arg4[%arg0, %add3A_247, %dma_start3A_252, %dma_start3A_253] : memref<2x13440x1x24xi32, #tpu.memory_space<hbm>> -> memref<1x1x1x24xi32, #tpu.memory_space<hbm>>
        %dma_start3A_255 = tpu.memref_squeeze %dma_start3A_254 : memref<1x1x1x24xi32, #tpu.memory_space<hbm>> -> memref<1x24xi32, #tpu.memory_space<hbm>>
        tpu.enqueue_dma source(%dma_start3A_255 : memref<1x24xi32, #tpu.memory_space<hbm>>) target(%arg16 : memref<1x24xi32, #tpu.memory_space<vmem>>) target_semaphore(%arg26 : memref<!tpu.dma_semaphore, #tpu.memory_space<semaphore_mem>>)
      } else {
      }
    }
    %scan3A_103 = arith.constant 210 : i32
    %barrier3A_104 = arith.constant 0 : index
    tpu.barrier barrier_id(%barrier3A_104)
    "tpu.region"() ({
      %run_scoped3A = tpu.sem_alloc : memref<!tpu.dma_semaphore, #tpu.memory_space<semaphore_mem>>
      %dma_start3A_105 = arith.constant 0 : i32
      %dma_start3A_106 = tpu.memref_slice %arg6[%arg0, %mul3A_2, %dma_start3A_105] : memref<2x5120x128xf32, #tpu.memory_space<hbm>> -> memref<1x320x128xf32, #tpu.memory_space<hbm>>
      %dma_start3A_107 = tpu.memref_squeeze %dma_start3A_106 : memref<1x320x128xf32, #tpu.memory_space<hbm>> -> memref<320x128xf32, #tpu.memory_space<hbm>>
      %dma_start3A_108 = arith.constant 0 : i32
      %dma_start3A_109 = tpu.memref_slice %arg8[%mul3A_2, %dma_start3A_108] : memref<5120x128xf32, #tpu.memory_space<vmem_shared>> -> memref<320x128xf32, #tpu.memory_space<vmem_shared>>
      tpu.enqueue_dma source(%dma_start3A_109 : memref<320x128xf32, #tpu.memory_space<vmem_shared>>) target(%dma_start3A_107 : memref<320x128xf32, #tpu.memory_space<hbm>>) target_semaphore(%run_scoped3A : memref<!tpu.dma_semaphore, #tpu.memory_space<semaphore_mem>>)
      %dma_wait3A_110 = arith.constant 0 : i32
      %dma_wait3A_111 = tpu.memref_slice %arg6[%arg0, %mul3A_2, %dma_wait3A_110] : memref<2x5120x128xf32, #tpu.memory_space<hbm>> -> memref<1x320x128xf32, #tpu.memory_space<hbm>>
      %dma_wait3A_112 = tpu.memref_squeeze %dma_wait3A_111 : memref<1x320x128xf32, #tpu.memory_space<hbm>> -> memref<320x128xf32, #tpu.memory_space<hbm>>
      %dma_wait3A_113 = arith.constant 0 : i32
      %dma_wait3A_114 = tpu.memref_slice %arg8[%mul3A_2, %dma_wait3A_113] : memref<5120x128xf32, #tpu.memory_space<vmem_shared>> -> memref<320x128xf32, #tpu.memory_space<vmem_shared>>
      tpu.wait_dma2 semaphore(%run_scoped3A : memref<!tpu.dma_semaphore, #tpu.memory_space<semaphore_mem>>) src(%dma_wait3A_114 : memref<320x128xf32, #tpu.memory_space<vmem_shared>>) dst(%dma_wait3A_112 : memref<320x128xf32, #tpu.memory_space<hbm>>)
      tpu.yield
    }) : () -> ()
    return
  }
}

module attributes {stable_mosaic.version = 14 : i64} {
  func.func @body(%arg0: i32, %arg1: memref<1x1264x128xf32, #tpu.memory_space<vmem>>, %arg2: memref<128x128xf32, #tpu.memory_space<vmem>>, %arg3: memref<1x128xf32, #tpu.memory_space<vmem>>, %arg4: memref<1264x128xf32, #tpu.memory_space<vmem>>) attributes {dimension_semantics = [#tpu.dimension_semantics<arbitrary>], iteration_bounds = array<i64: 8>, scalar_prefetch = 0 : i64, scratch_operands = 0 : i64, tpu.core_type = #tpu.core_type<tc>, window_params = [{transform_indices = @transform_0, window_bounds = array<i64: 1, 1264, 128>}, {pipeline_mode = #tpu.pipeline_mode<synchronous>, transform_indices = @transform_1, window_bounds = array<i64: 128, 128>}, {pipeline_mode = #tpu.pipeline_mode<synchronous>, transform_indices = @transform_2, window_bounds = array<i64: 1, 128>}, {transform_indices = @transform_3, window_bounds = array<i64: 1264, 128>}]} {
    %get3A = arith.constant 0 : index
    %get3A_0 = arith.constant 0 : index
    %get3A_1 = arith.constant 0 : index
    %get3A_2 = vector.load %arg1[%get3A, %get3A_0, %get3A_1] : memref<1x1264x128xf32, #tpu.memory_space<vmem>>, vector<1x1264x128xf32>
    %get3A_3 = vector.shape_cast %get3A_2 : vector<1x1264x128xf32> to vector<1264x128xf32>
    %get3A_4 = arith.constant 0 : index
    %get3A_5 = arith.constant 0 : index
    %get3A_6 = vector.load %arg2[%get3A_4, %get3A_5] : memref<128x128xf32, #tpu.memory_space<vmem>>, vector<128x128xf32>
    %dot_general3A = arith.constant dense<0.000000e+00> : vector<1264x128xf32>
    %dot_general3A_7 = tpu.matmul %get3A_3, %get3A_6, %dot_general3A {dimension_numbers = #tpu.dot_dimension_numbers<[1], [0], [0], [1], [0, 0, 1, 1], [], []>, transpose_lhs_hint = false} : vector<1264x128xf32>, vector<128x128xf32>, vector<1264x128xf32> -> vector<1264x128xf32>
    %get3A_8 = arith.constant 0 : index
    %get3A_9 = arith.constant 0 : index
    %get3A_10 = vector.load %arg3[%get3A_8, %get3A_9] : memref<1x128xf32, #tpu.memory_space<vmem>>, vector<1x128xf32>
    %add3A = vector.broadcast %get3A_10 : vector<1x128xf32> to vector<1264x128xf32>
    %add3A_11 = arith.addf %dot_general3A_7, %add3A : vector<1264x128xf32>
    %max3A = arith.constant 0.000000e+00 : f32
    %max3A_12 = vector.broadcast %max3A : f32 to vector<1264x128xf32>
    %max3A_13 = arith.maximumf %add3A_11, %max3A_12 : vector<1264x128xf32>
    %swap3A = arith.constant 0 : index
    %swap3A_14 = arith.constant 0 : index
    %swap3A_15 = vector.load %arg4[%swap3A, %swap3A_14] : memref<1264x128xf32, #tpu.memory_space<vmem>>, vector<1264x128xf32>
    tpu.vector_store %arg4[%swap3A, %swap3A_14], %max3A_13 {strides = array<i32>} : memref<1264x128xf32, #tpu.memory_space<vmem>>, vector<1264x128xf32>,
    return
  }
  func.func @transform_0(%arg0: i32) -> (i32, i32, i32) {
    %jit3A = arith.constant 4 : i32
    %div3A = arith.divsi %arg0, %jit3A : i32
    %sign3A = arith.constant 0 : i32
    %sign3A_0 = arith.cmpi sgt, %arg0, %sign3A : i32
    %sign3A_1 = arith.extui %sign3A_0 : i1 to i32
    %sign3A_2 = arith.constant 0 : i32
    %sign3A_3 = arith.cmpi slt, %arg0, %sign3A_2 : i32
    %sign3A_4 = arith.extui %sign3A_3 : i1 to i32
    %sign3A_5 = arith.subi %sign3A_1, %sign3A_4 : i32
    %sign3A_6 = arith.constant 0 : i32
    %sign3A_7 = arith.cmpi sgt, %jit3A, %sign3A_6 : i32
    %sign3A_8 = arith.extui %sign3A_7 : i1 to i32
    %sign3A_9 = arith.constant 0 : i32
    %sign3A_10 = arith.cmpi slt, %jit3A, %sign3A_9 : i32
    %sign3A_11 = arith.extui %sign3A_10 : i1 to i32
    %sign3A_12 = arith.subi %sign3A_8, %sign3A_11 : i32
    %ne3A = arith.cmpi ne, %sign3A_5, %sign3A_12 : i32
    %rem3A = arith.remsi %arg0, %jit3A : i32
    %ne3A_13 = arith.constant 0 : i32
    %ne3A_14 = arith.cmpi ne, %rem3A, %ne3A_13 : i32
    %and3A = arith.andi %ne3A, %ne3A_14 : i1
    %sub3A = arith.constant 1 : i32
    %sub3A_15 = arith.subi %div3A, %sub3A : i32
    %select_n3A = arith.select %and3A, %sub3A_15, %div3A : i32
    %jit3A_16 = arith.constant 4 : i32
    %eq3A = arith.constant 0 : i32
    %eq3A_17 = arith.cmpi eq, %jit3A_16, %eq3A : i32
    %jit3A_18 = arith.constant 1 : i32
    %select_n3A_19 = arith.select %eq3A_17, %jit3A_18, %jit3A_16 : i32
    %rem3A_20 = arith.remsi %arg0, %select_n3A_19 : i32
    %ne3A_21 = arith.constant 0 : i32
    %ne3A_22 = arith.cmpi ne, %rem3A_20, %ne3A_21 : i32
    %lt3A = arith.constant 0 : i32
    %lt3A_23 = arith.cmpi slt, %rem3A_20, %lt3A : i32
    %lt3A_24 = arith.constant 0 : i32
    %lt3A_25 = arith.cmpi slt, %select_n3A_19, %lt3A_24 : i32
    %ne3A_26 = arith.xori %lt3A_23, %lt3A_25 : i1
    %and3A_27 = arith.andi %ne3A_26, %ne3A_22 : i1
    %add3A = arith.addi %rem3A_20, %select_n3A_19 : i32
    %select_n3A_28 = arith.select %and3A_27, %add3A, %rem3A_20 : i32
    %c0_i32 = arith.constant 0 : i32
    %c0_i32_29 = arith.constant 0 : i32
    return %select_n3A, %select_n3A_28, %c0_i32 : i32, i32, i32
  }
  func.func @transform_1(%arg0: i32) -> (i32, i32) {
    %c0_i32 = arith.constant 0 : i32
    %c0_i32_0 = arith.constant 0 : i32
    %c0_i32_1 = arith.constant 0 : i32
    return %c0_i32, %c0_i32_0 : i32, i32
  }
  func.func @transform_2(%arg0: i32) -> (i32, i32) {
    %c0_i32 = arith.constant 0 : i32
    %c0_i32_0 = arith.constant 0 : i32
    %c0_i32_1 = arith.constant 0 : i32
    return %c0_i32, %c0_i32_0 : i32, i32
  }
  func.func @transform_3(%arg0: i32) -> (i32, i32) {
    %c0_i32 = arith.constant 0 : i32
    %c0_i32_0 = arith.constant 0 : i32
    return %arg0, %c0_i32 : i32, i32
  }
}

</mosaic_0001>

<sc_bundles>
// kernel: kernel.4.cloned.1.call-start
scs
__scs_entry_jumppad:
0x0: {  	(pc) =	sbr.rel $0x88, $3  }
0x1: {  	(tag) =	ssettag $0x0;
	lr =	simm.s32 $0x1  }
0x2: {  	[smem:$0x3F9D] =	sst lr;
	_ =	strace $0xD0000000  }
0x3: {  	_ = 	snop  }
0x4: {  	_ = 	snop  }
0x5: {  	_ = 	snop  }
0x6: {  	_ = 	snop  }
0x7: {  	_ = 	snop  }
__scs_overlays_trampoline_lowered:
0x8: {  	[smem:$0x3FAC] =	sst s0  }
0x9: {  	[smem:$0x3FAD] =	sst s1  }
0xa: {  	[smem:$0x3FAE] =	sst s2  }
0xb: {  	[smem:$0x3FAF] =	sst s3  }
0xc: {  	[smem:$0x3FB0] =	sst s4  }
0xd: {  	[smem:$0x3FB1] =	sst s5  }
0xe: {  	[smem:$0x3FB2] =	sst s6  }
0xf: {  	[smem:$0x3FB3] =	sst s7  }
0x10: {  	[smem:$0x3FB4] =	sst s8  }
0x11: {  	[smem:$0x3FB5] =	sst s9;
	s0 =	simm.s32 @!p0 $0x0  }
0x12: {  	s1 =	sld [smem:$0x3F9B];
	s0 =	simm.s32 @p0 $0x1  }
0x13: {  	[smem:$0x3FB6] =	sst s0;
	s0 =	simm.s32 @!p1 $0x0  }
0x14: {  	s2 =	sld [smem:$0x3F9A];
	s0 =	simm.s32 @p1 $0x1  }
0x15: {  	[smem:$0x3FB7] =	sst s0;
	s0 =	simm.s32 @!p2 $0x0  }
0x16: {  	s3 =	sld [smem:$0x3FDB];
	s0 =	simm.s32 @p2 $0x1  }
0x17: {  	s4 =	simm.s32 $0x1BF5;
	[smem:$0x3FB9] =	sst s0  }
0x18: {  	s0 =	sld [smem:$0x3F9C];
	_ =	swait.ge [sflag:s4], $0x0  }
0x19: {  	s7 =	sld [smem:$0x3F9D]  }
0x1a: {  	s8 =	sadd.s32 $0xFFFFE003, lr  }
0x1b: {  	s9 =	sadd.s32 $0xFFFFFEF7, lr;
	s5 =	simm.s32 $0xFFFFFFFF;
	p2 =	slt.u32 s8, $0xFFFFF086  }
0x1c: {  	p1 =	slt.u32 s9, $0xF7A;
	s5 =	simm.s32 @!p2 $0x0  }
0x1d: {  	s5 =	simm.s32 @p1 $0x1;
	p0 =	seq.s32 s7, s2  }
0x1e: {  	s7 =	smul.u32 @!p0 $0xF7A, s2;
	p2 =	seq.s32 @!p0 s5, $0x0  }
0x1f: {  	s9 =	smul.u32 $0xF7A, s1;
	s8 =	simm.s32 @!p0 $0x1BF5;
	p2 =	por !p2, p0  }
0x20: {  	[sflag:s8] =	ssyncset.s32 @!p0 $0xFFFFF086;
	s6 =	sadd.s32 @!p0 s3, s7;
	s7 =	simm.s32 @!p0 $0x108  }
0x21: {  	s3 =	sadd.s32 s3, s9;
	s6 =	sadd.s32 @!p0 $0x88, s6;
	s7 =	simm.s32 @p2 $0x1082  }
0x22: {  	[simem:s7], [sflag:s8] =	dma.local @!p0 [hbm:s6], $0xF7A  }
0x23: {  	s9 =	sor.u32 $0xD0000000, s2;
	s6 =	simm.s32 $0x108;
	_ =	swait.ge @!p0 [sflag:s8], $0x0  }
0x24: {  	s3 =	sadd.s32 $0x88, s3;
	s6 =	simm.s32 @!p1 $0x1082;
	[sflag:s4] =	ssyncset.s32 $0xFFFFF086  }
0x25: {  	[simem:s6], [sflag:s4] =	dma.local [hbm:s3], $0xF7A  }
0x26: {  	[smem:$0x3F9D] =	sst s1;
	(tag) =	ssettag s2;
	_ =	strace s9  }
0x27: {  	s1 =	sld [smem:$0x3FAD]  }
0x28: {  	s2 =	sld [smem:$0x3FAE]  }
0x29: {  	s4 =	sld [smem:$0x3FB0]  }
0x2a: {  	p0 =	seq.s32 s5, $0x0;
	s5 =	sld [smem:$0x3FB1]  }
0x2b: {  	s6 =	sld [smem:$0x3FB2]  }
0x2c: {  	s7 =	sld [smem:$0x3FB3]  }
0x2d: {  	s3 =	simm.s32 $0x108;
	s8 =	sld [smem:$0x3FB4]  }
0x2e: {  	s3 =	simm.s32 @!p0 $0x1082;
	s9 =	sld [smem:$0x3FB5]  }
0x2f: {  	lr =	sadd.s32 s0, s3;
	s0 =	sld [smem:$0x3FAC]  }
0x30: {  	s3 =	sld [smem:$0x3FAF]  }
0x31: {  	[smem:$0x3FB8] =	sst s10  }
0x32: {  	s10 =	sld [smem:$0x3FB6];
	_ =	sdelay $0x3  }
0x33: {  	p0 =	seq.s32 s10, $0x1;
	s10 =	sld [smem:$0x3FB8];
	_ =	sdelay $0x3  }
0x34: {  	[smem:$0x3FB8] =	sst s10  }
0x35: {  	s10 =	sld [smem:$0x3FB7];
	_ =	sdelay $0x3  }
0x36: {  	p1 =	seq.s32 s10, $0x1;
	s10 =	sld [smem:$0x3FB8];
	_ =	sdelay $0x3  }
0x37: {  	[smem:$0x3FB8] =	sst s10  }
0x38: {  	s10 =	sld [smem:$0x3FB9]  }
0x39: {  	_ = 	snop;
	(pc) =	sbr.ind lr, $3  }
0x3a: {  	_ = 	snop  }
0x3b: {  	_ = 	snop  }
0x3c: {  	p2 =	seq.s32 s10, $0x1;
	s10 =	sld [smem:$0x3FB8]  }
0x3d: {  	_ =	shalt  }
0x3e: {  	_ =	shalt  }
0x3f: {  	_ =	shalt  }
0x40: {  	_ =	shalt  }
0x41: {  	_ =	shalt  }
0x42: {  	_ =	shalt  }
0x43: {  	_ =	shalt  }
0x44: {  	_ =	shalt  }
0x45: {  	_ =	shalt  }
0x46: {  	_ =	shalt  }
0x47: {  	_ =	shalt  }
0x48: {  	_ =	shalt  }
0x49: {  	_ =	shalt  }
0x4a: {  	_ =	shalt  }
0x4b: {  	_ =	shalt  }
0x4c: {  	_ =	shalt  }
0x4d: {  	_ =	shalt  }
0x4e: {  	_ =	shalt  }
0x4f: {  	_ =	shalt  }
0x50: {  	_ =	shalt  }
0x51: {  	_ =	shalt  }
0x52: {  	_ =	shalt  }
0x53: {  	_ =	shalt  }
0x54: {  	_ =	shalt  }
0x55: {  	_ =	shalt  }
0x56: {  	_ =	shalt  }
0x57: {  	_ =	shalt  }
0x58: {  	_ =	shalt  }
0x59: {  	_ =	shalt  }
0x5a: {  	_ =	shalt  }
0x5b: {  	_ =	shalt  }
0x5c: {  	_ =	shalt  }
0x5d: {  	_ =	shalt  }
0x5e: {  	_ =	shalt  }
0x5f: {  	_ =	shalt  }
0x60: {  	_ =	shalt  }
0x61: {  	_ =	shalt  }
0x62: {  	_ =	shalt  }
0x63: {  	_ =	shalt  }
0x64: {  	_ =	shalt  }
0x65: {  	_ =	shalt  }
0x66: {  	_ =	shalt  }
0x67: {  	_ =	shalt  }
0x68: {  	_ =	shalt  }
0x69: {  	_ =	shalt  }
0x6a: {  	_ =	shalt  }
0x6b: {  	_ =	shalt  }
0x6c: {  	_ =	shalt  }
0x6d: {  	_ =	shalt  }
0x6e: {  	_ =	shalt  }
0x6f: {  	_ =	shalt  }
0x70: {  	_ =	shalt  }
0x71: {  	_ =	shalt  }
0x72: {  	_ =	shalt  }
0x73: {  	_ =	shalt  }
0x74: {  	_ =	shalt  }
0x75: {  	_ =	shalt  }
0x76: {  	_ =	shalt  }
0x77: {  	_ =	shalt  }
0x78: {  	_ =	shalt  }
0x79: {  	_ =	shalt  }
0x7a: {  	_ =	shalt  }
0x7b: {  	_ =	shalt  }
0x7c: {  	_ =	shalt  }
0x7d: {  	_ =	shalt  }
0x7e: {  	_ =	shalt  }
0x7f: {  	_ =	shalt  }
0x80: {  	_ =	shalt  }
0x81: {  	_ =	shalt  }
0x82: {  	_ =	shalt  }
0x83: {  	_ =	shalt  }
0x84: {  	_ =	shalt  }
0x85: {  	_ =	shalt  }
0x86: {  	_ =	shalt  }
0x87: {  	_ =	shalt  }
.Lfunc_end0:
.L_simem_size_0:
called_computation_lowered:
.L_overlay_start_0:
0x88: {  	s2 =	sld [smem:$0x3FD9]  }
0x89: {  	s3 =	sld [smem:$0x3FFE];
	_ =	sdelay $0x1  }
0x8a: {  	s1 =	srdreg.scid  }
0x8b: {  	s0 =	sand.u32 $0x1, s1  }
0x8c: {  	s17 =	sshll.u32 s0, $0xA;
	s2 =	sadd.s32 s3, s2  }
0x8d: {  	s2 =	sadd.s32 s2, s17  }
0x8e: {  	[smem:$0x3FC4] =	sst s2  }
0x8f: {  	_ = 	snop  }
0x90: {  	s2 =	sld [smem:$0x3FD0];
	(tm) =	ssettm $0x1  }
0x91: {  	s18 =	sld [smem:$0x3FFB];
	_ =	sdelay $0x3  }
0x92: {  	_ =	strace s18  }
0x93: {  	s3 =	sld [smem:$0x3FFC];
	_ =	sdelay $0x3  }
0x94: {  	_ =	strace s3  }
0x95: {  	s3 =	sld [smem:$0x3FFD];
	_ =	sdelay $0x3  }
0x96: {  	_ =	strace s3  }
0x97: {  	_ =	strace $0x8FFFFFFF  }
0x98: {  	s19 =	sld [smem:$0x3FDB];
	_ =	sdelay $0x1  }
0x99: {  	s4 =	simm.s32 $_scs_section_size  }
0x9a: {  	s5 =	simm.s32 $_size__tile_overlayer_lowered;
	s6 =	simm.s32 $_tile_overlayer_lowered  }
0x9b: {  	s22 =	simm.s32 $0x1BFF;
	s21 =	sshll.u32 s6, $0x1;
	s3 =	sadd.s32 s4, s19  }
0x9c: {  	s7 =	simm.s32 $0x0;
	s20 =	sshll.u32 s5, $0x1;
	s5 =	sadd.s32 s21, s3  }
0x9d: {  	[timem:s7], [sflag:s22] =	dma.local [hbm:s5], s20  }
0x9e: {  	_ =	swait.ge [sflag:s22], s20  }
0x9f: {  	s4 =	ssub.s32 $0x0, s20;
	[sflag:s22] =	ssyncset.done $0x0  }
0xa0: {  	[sflag:s22] =	ssyncadd.s32 s4;
	_ =	sdelay $0x1  }
0xa1: {  	s23 =	simm.s32 $0x1B8B  }
0xa2: {  	_ =	swait.ge [sflag:s23], $0x1  }
0xa3: {  	[sflag:s23] =	ssyncset.done $0x0  }
0xa4: {  	s25 =	simm.s32 $0x1B8E;
	s24 =	sld [smem:$0x3FFE];
	[sflag:s23] =	ssyncadd.s32 $0xFFFFFFFF  }
0xa5: {  	s26 =	simm.s32 $execute0_lowered;
	[smem:$0x3FD2] =	sst s25  }
0xa6: {  	s5 =	sshll.u32 s26, $0x1;
	_ =	strace $0x80000046;
	[dreg:$0x1] =	wrdreg $0xFFFFFFFF  }
0xa7: {  	s28 =	simm.s32 $_size_execute0_lowered;
	s3 =	sadd.s32 s3, s5;
	[dreg:$0x0] =	wrdreg $0x0  }
0xa8: {  	s5 =	sshll.u32 s28, $0x1;
	[dreg:$0x2] =	wrdreg s3  }
0xa9: {  	[dreg:$0x3] =	wrdreg s5  }
0xaa: {  	[dreg:$0x4] =	wrdreg $0xC0  }
0xab: {  	_ =	task [dreg:s7], $0x5FFFF  }
0xac: {  	[dreg:$0x1] =	wrdreg $0xFFFFFFFF  }
0xad: {  	[dreg:$0x0] =	wrdreg $0x60  }
0xae: {  	[dreg:$0x2] =	wrdreg s24  }
0xaf: {  	[dreg:$0x3] =	wrdreg s2  }
0xb0: {  	[dreg:$0x4] =	wrdreg $0x0  }
0xb1: {  	[dreg:$0x5] =	wrdreg $0x13C000  }
0xb2: {  	[dreg:$0x6] =	wrdreg $0x9  }
0xb3: {  	_ =	task.clear_ibuf [dreg:s7], $0x7FFFF;
	_ =	strace $0x90000046  }
0xb4: {  	s29 =	simm.s32 $0x9;
	_ =	strace $0x80000048  }
0xb5: {  	_ =	swait.ge [sflag:s29], $0x1  }
0xb6: {  	[sflag:s29] =	ssyncadd.s32 $0xFFFFFFFF  }
0xb7: {  	_ =	strace $0x90000048  }
0xb8: {  	_ =	sfence  }
0xb9: {  	s30 =	sld [smem:$0x0];
	_ =	sdelay $0x2  }
0xba: {  	s31 =	sshll.u32 s1, $0xD;
	s1 =	sshrl.u32 s1, $0x2  }
0xbb: {  	s3 =	sand.u32 $0x4000, s31;
	s1 =	sadd.s32 s1, s30  }
0xbc: {  	s0 =	sor.u32 s3, s0;
	s1 =	sshll.u32 s1, $0x11  }
0xbd: {  	s0 =	sor.u32 s1, s0  }
0xbe: {  	s0 =	sadd.s32 $0x8F2B, s0  }
0xbf: {  	[sflag:s0] =	ssyncadd.remote.s32 $0x1  }
0xc0: {  	_ =	sfence.sel $0xFFFF  }
0xc1: {  	[dreg:$0x0] =	wrdreg $0xFFFFFFFF;
	(pc) =	sbr.abs _section_cstart, $3  }
0xc2: {  	[dreg:$0x1] =	wrdreg $0xFFFFFFFF  }
0xc3: {  	_ =	task.clear_ibuf [dreg:s7], $0x2FFFF;
	_ =	strace $0x9FFFFFFF  }
0xc4: {  	(tm) =	ssettm $0x7FFFFFFF  }
0xc5: {  	_ =	shalt  }
tec
execute0_lowered:
.L_overlay_start_1:
0x0: {  	(tag) =	ssettag $0x1  }
0x1: {  	s0 =	rddreg [dreg:$0x0]  }
0x2: {  	s1 =	rddreg [dreg:$0x1]  }
0x3: {  	s2 =	rddreg [dreg:$0x2];
	s14 =	stileid.u32  }
0x4: {  	s3 =	rddreg [dreg:$0x3];
	s5 =	smul.u32 $0x2780, s14  }
0x5: {  	s6 =	srdreg.scid;
	s7 =	smul.u32 $0xA000, s14  }
0x6: {  	s4 =	simm.s32 $0x0;
	s31 =	simm.s32 $0x1DD00;
	s10 =	smul.u32 $0x4F000, s14  }
0x7: {  	s28 =	simm.s32 $0x0;
	s6 =	sand.u32 $0x1, s6;
	s19 =	smul.u32 $0x28000, s14  }
0x8: {  	[smem:$0x7FF] =	sst s4;
	s9 =	sadd.s32 $0xC00, s0;
	s13 =	smul.u32 $0x1A400, s14  }
0x9: {  	s11 =	sadd.s32 $0x35400, s0;
	s20 =	sshll.u32 s14, $0x6;
	s8 =	smul.u32 $0xA0000, s6  }
0xa: {  	_ =	strace $0x80000047;
	s12 =	ssub.s32 $0x2, s6;
	s6 =	smul.u32 $0x1A4000, s6  }
0xb: {  	s26 =	sor.u32 $0x1C0B, s20;
	s5 =	sadd.s32 s5, s0;
	s18 =	sshrl.u32 s12, $0x1  }
0xc: {  	s10 =	sshrl.u32 s10, $0x2;
	s22 =	sshrl.u32 s13, $0x3;
	s23 =	sor.u32 $0x80, s13  }
0xd: {  	s15 =	sor.u32 $0x100, s13;
	s17 =	sor.u32 $0x180, s13;
	[dreg:$0x6] =	wrdreg s26  }
0xe: {  	s8 =	sadd.s32 s7, s8;
	s10 =	sadd.s32 s10, s2;
	s5 =	sadd.s32 $0x9E400, s5  }
0xf: {  	s7 =	sshrl.u32 s7, $0x3;
	s25 =	sadd.s32 s6, s23;
	s29 =	sshrl.u32 s23, $0x3  }
0x10: {  	s16 =	sshrl.u32 s15, $0x3;
	s20 =	sadd.s32 s6, s17;
	s8 =	sshrl.u32 s8, $0x3  }
0x11: {  	[dreg:$0x5] =	wrdreg s5;
	s1 =	sadd.s32 s1, s7;
	s5 =	sadd.s32 s13, s6  }
0x12: {  	s30 =	sshrl.u32 s25, $0x3;
	s7 =	sadd.s32 s9, s16;
	s13 =	simm.s32 $0x5  }
0x13: {  	s16 =	simm.s32 $0x6;
	s0 =	sadd.s32 s8, s0;
	s8 =	ssub.s32 s12, s18  }
0x14: {  	s12 =	sshrl.u32 s19, $0x2;
	[dreg:$0x8] =	wrdreg s1;
	s1 =	sadd.s32 s9, s22  }
0x15: {  	s24 =	sshrl.u32 s5, $0x3;
	[dreg:$0xd] =	wrdreg s7;
	s18 =	sshrl.u32 s17, $0x3  }
0x16: {  	s22 =	smul.u32 $0x3480, s14;
	s25 =	sor.u32 $0x300, s5;
	s7 =	simm.s32 $0x1  }
0x17: {  	s14 =	simm.s32 $0x3;
	s21 =	sadd.s32 s12, s3;
	[dreg:$0x9] =	wrdreg s1  }
0x18: {  	s17 =	simm.s32 $0x4;
	s1 =	sadd.s32 s11, s24;
	[dreg:$0x7] =	wrdreg s21  }
0x19: {  	s12 =	sadd.s32 s11, s30;
	s19 =	sadd.s32 s9, s18;
	[dreg:$0xa] =	wrdreg s1  }
0x1a: {  	s0 =	sadd.s32 $0xC5C00, s0;
	s24 =	smax.u32 s8, $0x1;
	[dreg:$0xc] =	wrdreg s12  }
0x1b: {  	s30 =	sshrl.u32 s10, $0x3;
	s8 =	simm.s32 $0x18;
	[dreg:$0xf] =	wrdreg s19  }
0x1c: {  	s10 =	simm.s32 $0x2;
	s18 =	simm.s32 $0x7;
	[dreg:$0x11] =	wrdreg s0  }
0x1d: {  	s1 =	sadd.s32 s9, s29;
	s21 =	sor.u32 $0x380, s5;
	[dreg:$0x12] =	wrdreg s24  }
0x1e: {  	s29 =	sor.u32 $0x280, s5;
	s5 =	sor.u32 $0x200, s5;
	s0 =	sshrl.u32 s25, $0x3  }
0x1f: {  	[dreg:$0x13] =	wrdreg s30;
	s25 =	simm.s32 $0xB;
	s12 =	simm.s32 $0x9  }
0x20: {  	s24 =	simm.s32 $0x8;
	[dreg:$0xb] =	wrdreg s1;
	s1 =	sadd.s32 s6, s15  }
0x21: {  	s23 =	sshrl.u32 s21, $0x3;
	s5 =	sshrl.u32 s5, $0x3;
	s21 =	sadd.s32 s0, s11  }
0x22: {  	s0 =	simm.s32 $0x1DF00;
	s15 =	simm.s32 $0xA;
	s1 =	sshrl.u32 s1, $0x3  }
.Ltmp0:
0x23: {  	s19 =	sadd.s32 s23, s11;
	s1 =	sadd.s32 s11, s1;
	(pc) =	sbr.rel .LBB2_1-.Ltmp0, $4  }
0x24: {  	s23 =	sadd.s32 s5, s11;
	[dreg:$0xe] =	wrdreg s1;
	s1 =	sshrl.u32 s20, $0x3  }
0x25: {  	s5 =	simm.s32 $0x1DF80;
	s20 =	sadd.s32 s22, s9;
	s1 =	sadd.s32 s11, s1  }
0x26: {  	s9 =	simm.s32 $0x1E000;
	[dreg:$0x10] =	wrdreg s1;
	s1 =	sshrl.u32 s29, $0x3  }
0x27: {  	s22 =	sadd.s32 s1, s11;
	s1 =	simm.s32 $0x1DD80;
	s11 =	simm.s32 $0x1EC00  }
.LBB2_4:
0x28: {  	_ =	swait.ge [sflag:s15], $0xC00  }
0x29: {  	[sflag:s15] =	ssyncset.done $0x0  }
0x2a: {  	[sflag:s15] =	ssyncadd.s32 $0xFFFFF400  }
0x2b: {  	_ =	swait.ge [sflag:s24], $0x80  }
0x2c: {  	[sflag:s24] =	ssyncset.done $0x0  }
0x2d: {  	[sflag:s24] =	ssyncadd.s32 $0xFFFFFF80  }
0x2e: {  	[spmem:s3] =	stream.indirect.scatter.add.f32 [tilespmem:s11], [sflag:$0xB], $0x80, s5, s8, $0xb8;
	[tilespmem:$0x1F800] =	vst v63  }
0x2f: {  	_ =	swait.ge [sflag:s25], $0xC00  }
0x30: {  	[sflag:s25] =	ssyncset.done $0x0  }
0x31: {  	[sflag:s25] =	ssyncadd.s32 $0xFFFFF400  }
0x32: {  	[bflag:$0x0] =	sbarrier.arrive $0xFFFF  }
0x33: {  	s26 =	rddreg [dreg:$0x6]  }
0x34: {  	s6 =	rddreg [dreg:$0x11]  }
0x35: {  	s28 =	rddreg [dreg:$0x15]  }
0x36: {  	[hbm:s6], [sflag:s26] =	dma.local [spmem:s28], $0x1400  }
0x37: {  	_ =	swait.ge [sflag:s25], $0x1400  }
0x38: {  	s28 =	rddreg [dreg:$0x14]  }
0x39: {  	s30 =	rddreg [dreg:$0x12];
	s28 =	sadd.s32 $0x1, s28  }
0x3a: {  	p0 =	sne.s32 s28, s30  }
.Ltmp1:
0x3b: {  	_ = 	snop;
	(pc) =	sbr.rel @!p0 .LBB2_5-.Ltmp1, $3  }
0x3c: {  	_ =	sdelay $0x1  }
0x3d: {  	[sflag:s25] =	ssyncset.done $0x0  }
0x3e: {  	[sflag:s25] =	ssyncadd.s32 $0xFFFFEC00  }
.LBB2_1:
0x3f: {  	[dreg:$0x14] =	wrdreg s28  }
0x40: {  	s6 =	rddreg [dreg:$0x5]  }
0x41: {  	s30 =	rddreg [dreg:$0x13]  }
0x42: {  	[spmem:s30], [sflag:s26] =	dma.local [hbm:s6], $0x2780  }
0x43: {  	_ =	swait.ge [sflag:s25], $0x2780  }
0x44: {  	s28 =	rddreg [dreg:$0x7]  }
0x45: {  	[sflag:s25] =	ssyncset.done $0x0;
	s30 =	rddreg [dreg:$0x8];
	s29 =	sshrl.u32 s28, $0x3  }
0x46: {  	[sflag:s25] =	ssyncadd.s32 $0xFFFFD880;
	[dreg:$0x15] =	wrdreg s29  }
0x47: {  	[spmem:s29], [sflag:s26] =	dma.local [hbm:s30], $0x1400  }
0x48: {  	_ =	swait.ge [sflag:s25], $0x1400  }
0x49: {  	[sflag:s25] =	ssyncset.done $0x0  }
0x4a: {  	[sflag:s25] =	ssyncadd.s32 $0xFFFFEC00  }
0x4b: {  	[bflag:$0x0] =	sbarrier.arrive $0xFFFF  }
0x4c: {  	s26 =	simm.s32 $0x1DC00;
	s29 =	rddreg [dreg:$0x9]  }
0x4d: {  	[tilespmem:s26], [sflag:$0x1] =	stream.linear.gather [hbm4b:s29+s4], $0x80, $0x38;
	[tilespmem:$0x1F800] =	vst v63  }
0x4e: {  	s30 =	rddreg [dreg:$0xa];
	s29 =	simm.s32 $0x1DE00  }
0x4f: {  	[tilespmem:s29], [sflag:$0x5] =	stream.linear.gather [hbm4b:s30+s4], $0x80, $0x38;
	[tilespmem:$0x1F800] =	vst v63  }
0x50: {  	s30 =	rddreg [dreg:$0xb];
	s29 =	simm.s32 $0x1DC80  }
0x51: {  	[tilespmem:s29], [sflag:$0x2] =	stream.linear.gather [hbm4b:s30+s4], $0x80, $0x38;
	[tilespmem:$0x1F800] =	vst v63  }
0x52: {  	s30 =	rddreg [dreg:$0xc];
	s29 =	simm.s32 $0x1DE80  }
0x53: {  	[tilespmem:s29], [sflag:$0x6] =	stream.linear.gather [hbm4b:s30+s4], $0x80, $0x38;
	[tilespmem:$0x1F800] =	vst v63  }
0x54: {  	s30 =	rddreg [dreg:$0xd]  }
0x55: {  	[tilespmem:s31], [sflag:$0x3] =	stream.linear.gather [hbm4b:s30+s4], $0x80, $0x38;
	[tilespmem:$0x1F800] =	vst v63  }
0x56: {  	s28 =	rddreg [dreg:$0xe]  }
0x57: {  	[tilespmem:s0], [sflag:$0x7] =	stream.linear.gather [hbm4b:s28+s4], $0x80, $0x38;
	[tilespmem:$0x1F800] =	vst v63  }
0x58: {  	s29 =	rddreg [dreg:$0xf]  }
0x59: {  	[tilespmem:s1], [sflag:$0x4] =	stream.linear.gather [hbm4b:s29+s4], $0x80, $0x38;
	[tilespmem:$0x1F800] =	vst v63  }
0x5a: {  	s30 =	rddreg [dreg:$0x10]  }
0x5b: {  	[tilespmem:s5], [sflag:$0x8] =	stream.linear.gather [hbm4b:s30+s4], $0x80, $0x38;
	[tilespmem:$0x1F800] =	vst v63  }
0x5c: {  	_ =	swait.ge [sflag:s7], $0x80  }
0x5d: {  	[sflag:s7] =	ssyncset.done $0x0  }
0x5e: {  	s6 =	simm.s32 $0x0;
	[sflag:s7] =	ssyncadd.s32 $0xFFFFFF80  }
0x5f: {  	[tilespmem:s9], [sflag:$0x9] =	stream.indirect.gather [spmem:s2], $0x80, s26, s8, $0xb8;
	[tilespmem:$0x1F800] =	vst v63  }
.LBB2_2:
0x60: {  	_ =	swait.ge [sflag:s10], $0x80  }
0x61: {  	[sflag:s10] =	ssyncset.done $0x0  }
0x62: {  	s26 =	simm.s32 $0x1DC80;
	[sflag:s10] =	ssyncadd.s32 $0xFFFFFF80  }
0x63: {  	[tilespmem:s11], [sflag:$0xA] =	stream.indirect.gather [spmem:s2], $0x80, s26, s8, $0xb8;
	[tilespmem:$0x1F800] =	vst v63  }
0x64: {  	_ =	swait.ge [sflag:s12], $0xC00  }
0x65: {  	[sflag:s12] =	ssyncset.done $0x0  }
0x66: {  	[sflag:s12] =	ssyncadd.s32 $0xFFFFF400  }
0x67: {  	_ =	swait.ge [sflag:s13], $0x80  }
0x68: {  	[sflag:s13] =	ssyncset.done $0x0  }
0x69: {  	s29 =	simm.s32 $0x1DE00;
	[sflag:s13] =	ssyncadd.s32 $0xFFFFFF80  }
0x6a: {  	[spmem:s3] =	stream.indirect.scatter.add.f32 [tilespmem:s9], [sflag:$0xB], $0x80, s29, s8, $0xb8;
	[tilespmem:$0x1F800] =	vst v63  }
0x6b: {  	p0 =	seq.s32 s6, $0x3440;
	_ =	swait.ge [sflag:s25], $0xC00  }
0x6c: {  	s30 =	simm.s32 @!p0 $0x1DC00;
	s26 =	sadd.s32 @!p0 s6, s20;
	[sflag:s25] =	ssyncset.done $0x0  }
0x6d: {  	s28 =	sadd.s32 @!p0 $0x40, s26;
	s29 =	simm.s32 @!p0 $0x0;
	[sflag:s25] =	ssyncadd.s32 $0xFFFFF400  }
0x6e: {  	[tilespmem:s30], [sflag:$0x1] =	stream.linear.gather @!p0 [hbm4b:s28+s29], $0x80, $0x38;
	[tilespmem:$0x1F800] =	vst v63  }
0x6f: {  	s28 =	sadd.s32 @!p0 s6, s23;
	s30 =	simm.s32 @!p0 $0x1DE00  }
0x70: {  	[tilespmem:s30], [sflag:$0x5] =	stream.linear.gather @!p0 [hbm4b:s28+s29], $0x80, $0x38;
	[tilespmem:$0x1F800] =	vst v63  }
0x71: {  	_ =	swait.ge [sflag:s14], $0x80  }
0x72: {  	[sflag:s14] =	ssyncset.done $0x0  }
0x73: {  	[sflag:s14] =	ssyncadd.s32 $0xFFFFFF80  }
0x74: {  	[tilespmem:s9], [sflag:$0x9] =	stream.indirect.gather [spmem:s2], $0x80, s31, s8, $0xb8;
	[tilespmem:$0x1F800] =	vst v63  }
0x75: {  	_ =	swait.ge [sflag:s15], $0xC00  }
0x76: {  	[sflag:s15] =	ssyncset.done $0x0  }
0x77: {  	[sflag:s15] =	ssyncadd.s32 $0xFFFFF400  }
0x78: {  	_ =	swait.ge [sflag:s16], $0x80  }
0x79: {  	[sflag:s16] =	ssyncset.done $0x0  }
0x7a: {  	s30 =	simm.s32 $0x1DE80;
	[sflag:s16] =	ssyncadd.s32 $0xFFFFFF80  }
0x7b: {  	[spmem:s3] =	stream.indirect.scatter.add.f32 [tilespmem:s11], [sflag:$0xB], $0x80, s30, s8, $0xb8;
	[tilespmem:$0x1F800] =	vst v63  }
0x7c: {  	_ =	swait.ge [sflag:s25], $0xC00  }
0x7d: {  	[sflag:s25] =	ssyncset.done $0x0  }
0x7e: {  	s26 =	sadd.s32 @!p0 $0x50, s26;
	s28 =	simm.s32 @!p0 $0x1DC80;
	[sflag:s25] =	ssyncadd.s32 $0xFFFFF400  }
0x7f: {  	[tilespmem:s28], [sflag:$0x2] =	stream.linear.gather @!p0 [hbm4b:s26+s29], $0x80, $0x38;
	[tilespmem:$0x1F800] =	vst v63  }
0x80: {  	s26 =	sadd.s32 @!p0 s6, s22;
	s28 =	simm.s32 @!p0 $0x1DE80  }
0x81: {  	[tilespmem:s28], [sflag:$0x6] =	stream.linear.gather @!p0 [hbm4b:s26+s29], $0x80, $0x38;
	[tilespmem:$0x1F800] =	vst v63  }
0x82: {  	_ =	swait.ge [sflag:s17], $0x80  }
0x83: {  	[sflag:s17] =	ssyncset.done $0x0  }
0x84: {  	[sflag:s17] =	ssyncadd.s32 $0xFFFFFF80  }
0x85: {  	[tilespmem:s11], [sflag:$0xA] =	stream.indirect.gather [spmem:s2], $0x80, s1, s8, $0xb8;
	[tilespmem:$0x1F800] =	vst v63  }
0x86: {  	_ =	swait.ge [sflag:s12], $0xC00  }
0x87: {  	[sflag:s12] =	ssyncset.done $0x0  }
0x88: {  	[sflag:s12] =	ssyncadd.s32 $0xFFFFF400  }
0x89: {  	_ =	swait.ge [sflag:s18], $0x80  }
0x8a: {  	[sflag:s18] =	ssyncset.done $0x0  }
.Ltmp2:
0x8b: {  	[sflag:s18] =	ssyncadd.s32 $0xFFFFFF80;
	(pc) =	sbr.rel @p0 .LBB2_4-.Ltmp2, $4  }
0x8c: {  	[spmem:s3] =	stream.indirect.scatter.add.f32 [tilespmem:s9], [sflag:$0xB], $0x80, s0, s8, $0xb8;
	[tilespmem:$0x1F800] =	vst v63  }
0x8d: {  	_ =	swait.ge [sflag:s25], $0xC00  }
0x8e: {  	[sflag:s25] =	ssyncset.done $0x0  }
0x8f: {  	[sflag:s25] =	ssyncadd.s32 $0xFFFFF400  }
0x90: {  	s26 =	sadd.s32 s6, s20  }
0x91: {  	s28 =	sadd.s32 $0x60, s26  }
0x92: {  	[tilespmem:s31], [sflag:$0x3] =	stream.linear.gather [hbm4b:s28+s4], $0x80, $0x38;
	[tilespmem:$0x1F800] =	vst v63  }
0x93: {  	s30 =	sadd.s32 s6, s21  }
0x94: {  	[tilespmem:s0], [sflag:$0x7] =	stream.linear.gather [hbm4b:s30+s4], $0x80, $0x38;
	[tilespmem:$0x1F800] =	vst v63  }
0x95: {  	_ =	swait.ge [sflag:s7], $0x80  }
0x96: {  	[sflag:s7] =	ssyncset.done $0x0  }
0x97: {  	s29 =	simm.s32 $0x1DC00;
	[sflag:s7] =	ssyncadd.s32 $0xFFFFFF80  }
0x98: {  	[tilespmem:s9], [sflag:$0x9] =	stream.indirect.gather [spmem:s2], $0x80, s29, s8, $0xb8;
	[tilespmem:$0x1F800] =	vst v63  }
0x99: {  	_ =	swait.ge [sflag:s15], $0xC00  }
0x9a: {  	[sflag:s15] =	ssyncset.done $0x0  }
0x9b: {  	[sflag:s15] =	ssyncadd.s32 $0xFFFFF400  }
0x9c: {  	_ =	swait.ge [sflag:s24], $0x80  }
0x9d: {  	[sflag:s24] =	ssyncset.done $0x0  }
0x9e: {  	[sflag:s24] =	ssyncadd.s32 $0xFFFFFF80  }
0x9f: {  	[spmem:s3] =	stream.indirect.scatter.add.f32 [tilespmem:s11], [sflag:$0xB], $0x80, s5, s8, $0xb8;
	[tilespmem:$0x1F800] =	vst v63  }
0xa0: {  	_ =	swait.ge [sflag:s25], $0xC00  }
.Ltmp3:
0xa1: {  	[sflag:s25] =	ssyncset.done $0x0;
	(pc) =	sbr.rel .LBB2_2-.Ltmp3, $4  }
0xa2: {  	s26 =	sadd.s32 $0x70, s26;
	[sflag:s25] =	ssyncadd.s32 $0xFFFFF400  }
0xa3: {  	[tilespmem:s1], [sflag:$0x4] =	stream.linear.gather [hbm4b:s26+s4], $0x80, $0x38;
	[tilespmem:$0x1F800] =	vst v63  }
0xa4: {  	s30 =	sadd.s32 s6, s19;
	s6 =	sadd.s32 $0x40, s6  }
0xa5: {  	[tilespmem:s5], [sflag:$0x8] =	stream.linear.gather [hbm4b:s30+s4], $0x80, $0x38;
	[tilespmem:$0x1F800] =	vst v63  }
.LBB2_5:
0xa6: {  	_ =	sfence.sel $0x180000  }
0xa7: {  	[bflag:$0x0] =	sbarrier.arrive $0xFFFF  }
0xa8: {  	_ =	strace $0x90000047  }
0xa9: {  	s0 =	stileid.u32;
	[bflag:$0x2] =	sbarrier.arrive $0xFFFF  }
0xaa: {  	p0 =	sne.s32 s0, $0x0;
	s0 =	rddreg [dreg:$0x4]  }
0xab: {  	s0 =	sadd.s32 @!p0 $0x100000, s0  }
0xac: {  	[sflag:s0] =	ssyncadd.tile.s32 @!p0 $0x1;
	_ =	shalt  }
.Lfunc_end2:
_tile_overlayer_lowered:
.L_overlay_start_2:
0xad: {  	(tag) =	ssettag $0x2  }
0xae: {  	s0 =	rddreg [dreg:$0x0];
	s2 =	stileid.u32  }
0xaf: {  	s1 =	rddreg [dreg:$0x1];
	p0 =	sne.s32 s2, $0x0  }
0xb0: {  	s3 =	rddreg [dreg:$0x2];
	[bflag:$0x3] =	sbarrier.arrive $0xFFFF;
	s2 =	simm.s32 @!p0 $0x1C0B  }
0xb1: {  	[timem:s3], [sflag:s2] =	dma.local @!p0 [hbm:s0], s1  }
0xb2: {  	s0 =	simm.s32 @!p0 $0xB  }
0xb3: {  	_ =	swait.ge @!p0 [sflag:s0], s1  }
0xb4: {  	s1 =	ssub.s32 @!p0 $0x0, s1;
	[sflag:s0] =	ssyncset.done @!p0 $0x0  }
0xb5: {  	[sflag:s0] =	ssyncadd.s32 @!p0 s1  }
0xb6: {  	[bflag:$0x3] =	sbarrier.arrive $0xFFFF  }
0xb7: {  	_ =	shalt  }

</sc_bundles>
